<compile_context>
chip_gen: v7x
topology: tpu7x:2x2x1
jax: 0.10.2.dev20260603
libtpu: 0.0.44.dev20260713+nightly
codegen_flags: <defaults>
</compile_context>

<pallas_src>
import functools

import jax
import jax.numpy as jnp
from jax import lax
from jax.experimental import pallas as pl
from jax.experimental.pallas import tpu as pltpu
from jax.experimental.pallas import tpu_sc as plsc

VOCAB = 1000000
D = 64
B_TOTAL = 4096 * 200
NW = 32
B_PER_W = B_TOTAL // NW
IDX_W = 128
IDX_ROWS_PER_W = B_PER_W // IDX_W
G = 5
CHUNK = G * IDX_W
N_CHUNKS = B_PER_W // CHUNK
M_PAIRS = N_CHUNKS // 2

_mesh = plsc.VectorSubcoreMesh(core_axis_name="c", subcore_axis_name="s")


@functools.partial(
    pl.kernel,
    mesh=_mesh,
    out_type=jax.ShapeDtypeStruct((B_TOTAL, D), jnp.float32),
    scratch_types=[
        pltpu.VMEM((IDX_ROWS_PER_W, IDX_W), jnp.int32),
        pltpu.VMEM((CHUNK, D), jnp.float32),
        pltpu.VMEM((CHUNK, D), jnp.float32),
        pltpu.SemaphoreType.DMA,
        pltpu.SemaphoreType.DMA,
        pltpu.SemaphoreType.DMA,
        pltpu.SemaphoreType.DMA,
    ],
    compiler_params=pltpu.CompilerParams(use_tc_tiling_on_sc=False),
)
def _embed_gather(idx_hbm, table_hbm, out_hbm, idx_all, rows0, rows1,
                  sem_g0, sem_g1, sem_s0, sem_s1):
    wid = lax.axis_index("s") * 2 + lax.axis_index("c")
    idx_row0 = wid * IDX_ROWS_PER_W
    out_row0 = wid * B_PER_W

    pltpu.sync_copy(idx_hbm.at[pl.ds(idx_row0, IDX_ROWS_PER_W)], idx_all)

    def fire_gathers(j, rows, sem):
        r0 = j * G
        return [
            pltpu.async_copy(
                table_hbm.at[idx_all.at[r0 + g]],
                rows.at[pl.ds(g * IDX_W, IDX_W)],
                sem,
            )
            for g in range(G)
        ]

    def fire_store(j, rows, sem):
        return pltpu.async_copy(
            rows, out_hbm.at[pl.ds(out_row0 + j * CHUNK, CHUNK)], sem)

    def wait_store(j, rows, sem):
        pltpu.make_async_copy(
            rows, out_hbm.at[pl.ds(out_row0 + j * CHUNK, CHUNK)], sem).wait()

    def pair(m, first, last):
        j0 = 2 * m
        j1 = j0 + 1
        if not first:
            wait_store(j0 - 2, rows0, sem_s0)
        g0 = fire_gathers(j0, rows0, sem_g0)
        if not first:
            wait_store(j1 - 2, rows1, sem_s1)
        g1 = fire_gathers(j1, rows1, sem_g1)
        for c in g0:
            c.wait()
        fire_store(j0, rows0, sem_s0)
        for c in g1:
            c.wait()
        fire_store(j1, rows1, sem_s1)
        if last:
            wait_store(j0, rows0, sem_s0)
            wait_store(j1, rows1, sem_s1)

    pair(0, True, False)

    def body(m, carry):
        pair(m, False, False)
        return carry

    lax.fori_loop(1, M_PAIRS - 1, body, 0)
    pair(M_PAIRS - 1, False, True)


def kernel(idx_texts, table):
    idx_flat = idx_texts.reshape(B_TOTAL // IDX_W, IDX_W).astype(jnp.int32)
    out = _embed_gather(idx_flat, table)
    return out.reshape(idx_texts.shape + (D,))

# --- scband reference (transcript-rebuilt; emitter-appended) ---
"""Pipeline reference for scband-word-embedding-20091857010875 (READ-ONLY COPY).

The authoritative reference and input builder live on the scoring server;
editing this copy changes nothing except your own understanding.
"""

import jax, jax.numpy as jnp
import numpy as np

VOCAB = 1000000
EMBED_DIM = 64
BATCH = 4096
HIST = 200

def setup_inputs(seed: int = 0) -> dict:
    key = jax.random.key(seed)
    k_idx, k_tab = jax.random.split(key)
    idx_texts = jax.random.randint(k_idx, (BATCH, HIST), 0, VOCAB, dtype=jnp.int64 if jax.config.jax_enable_x64 else jnp.int32)
    table = jax.random.normal(k_tab, (VOCAB, EMBED_DIM), dtype=jnp.float32)
    return {"idx_texts": idx_texts, "table": table}

def reference(idx_texts, table):
    # nn.Embedding forward: row gather from the embedding table
    return jnp.take(table, idx_texts, axis=0)

if __name__ == "__main__":
    import jax
    _d = setup_inputs()
    print(jax.jit(kernel)(*tuple(_d.values())))

</pallas_src>

<mosaic_0001>
#map = affine_map<(d0, d1) -> (0, 0)>
module attributes {stable_mosaic.version = 14 : i64} {
  func.func @_embed_gather(%arg0: i32, %arg1: i32, %arg2: memref<6400x128xi32, #tpu.memory_space<hbm>>, %arg3: memref<1000000x64xf32, #tpu.memory_space<hbm>>, %arg4: memref<819200x64xf32, #tpu.memory_space<hbm>>, %arg5: memref<200x128xi32, #tpu.memory_space<vmem>>, %arg6: memref<640x64xf32, #tpu.memory_space<vmem>>, %arg7: memref<640x64xf32, #tpu.memory_space<vmem>>, %arg8: memref<!tpu.dma_semaphore, #tpu.memory_space<semaphore_mem>>, %arg9: memref<!tpu.dma_semaphore, #tpu.memory_space<semaphore_mem>>, %arg10: memref<!tpu.dma_semaphore, #tpu.memory_space<semaphore_mem>>, %arg11: memref<!tpu.dma_semaphore, #tpu.memory_space<semaphore_mem>>) attributes {dimension_semantics = [#tpu.dimension_semantics<core_parallel>, #tpu.dimension_semantics<subcore_parallel>], iteration_bounds = array<i64: 2, 16>, scalar_prefetch = 0 : i64, scratch_operands = 7 : i64, tpu.core_type = #tpu.core_type<sc_vector_subcore>, window_params = [{transform_indices = #map}, {transform_indices = #map}, {transform_indices = #map}]} {
    %mul3A = arith.constant 2 : i32
    %mul3A_0 = arith.muli %arg1, %mul3A : i32
    %add3A = arith.addi %mul3A_0, %arg0 : i32
    %mul3A_1 = arith.constant 200 : i32
    %mul3A_2 = arith.muli %add3A, %mul3A_1 : i32
    %mul3A_3 = arith.constant 25600 : i32
    %mul3A_4 = arith.muli %add3A, %mul3A_3 : i32
    "tpu.region"() ({
      %run_scoped3A = tpu.sem_alloc : memref<!tpu.dma_semaphore, #tpu.memory_space<semaphore_mem>>
      %dma_start3A_456 = arith.constant 0 : i32
      %dma_start3A_457 = tpu.memref_slice %arg2[%mul3A_2, %dma_start3A_456] : memref<6400x128xi32, #tpu.memory_space<hbm>> -> memref<200x128xi32, #tpu.memory_space<hbm>>
      %dma_start3A_458 = arith.constant 0 : i32
      %dma_start3A_459 = tpu.memref_slice %arg2[%mul3A_2, %dma_start3A_458] : memref<6400x128xi32, #tpu.memory_space<hbm>> -> memref<200x128xi32, #tpu.memory_space<hbm>>
      tpu.enqueue_dma source(%dma_start3A_459 : memref<200x128xi32, #tpu.memory_space<hbm>>) target(%arg5 : memref<200x128xi32, #tpu.memory_space<vmem>>) target_semaphore(%run_scoped3A : memref<!tpu.dma_semaphore, #tpu.memory_space<semaphore_mem>>)
      %dma_wait3A_460 = arith.constant 0 : i32
      %dma_wait3A_461 = tpu.memref_slice %arg2[%mul3A_2, %dma_wait3A_460] : memref<6400x128xi32, #tpu.memory_space<hbm>> -> memref<200x128xi32, #tpu.memory_space<hbm>>
      %dma_wait3A_462 = arith.constant 0 : i32
      %dma_wait3A_463 = tpu.memref_slice %arg2[%mul3A_2, %dma_wait3A_462] : memref<6400x128xi32, #tpu.memory_space<hbm>> -> memref<200x128xi32, #tpu.memory_space<hbm>>
      tpu.wait_dma2 semaphore(%run_scoped3A : memref<!tpu.dma_semaphore, #tpu.memory_space<semaphore_mem>>) src(%dma_wait3A_463 : memref<200x128xi32, #tpu.memory_space<hbm>>) dst(%arg5 : memref<200x128xi32, #tpu.memory_space<vmem>>)
      tpu.yield
    }) : () -> ()
    %dma_start3A = arith.constant 0 : i32
    %dma_start3A_5 = arith.constant 0 : i32
    %dma_start3A_6 = arith.constant 0 : i32
    %dma_start3A_7 = tpu.memref_slice %arg6[%dma_start3A_5, %dma_start3A_6] : memref<640x64xf32, #tpu.memory_space<vmem>> -> memref<128x64xf32, #tpu.memory_space<vmem>>
    %dma_start3A_8 = arith.constant 0 : i32
    %dma_start3A_9 = tpu.memref_slice %arg5[%dma_start3A, %dma_start3A_8] : memref<200x128xi32, #tpu.memory_space<vmem>> -> memref<1x128xi32, #tpu.memory_space<vmem>>
    %dma_start3A_10 = tpu.memref_squeeze %dma_start3A_9 : memref<1x128xi32, #tpu.memory_space<vmem>> -> memref<128xi32, #tpu.memory_space<vmem>>
    %dma_start3A_11 = arith.constant 0 : i32
    %dma_start3A_12 = arith.constant 0 : i32
    %dma_start3A_13 = tpu.memref_slice %arg3[%dma_start3A_11, %dma_start3A_12] : memref<1000000x64xf32, #tpu.memory_space<hbm>> -> memref<1000000x64xf32, #tpu.memory_space<hbm>>
    tpu.enqueue_indirect_dma source(%dma_start3A_13 : memref<1000000x64xf32, #tpu.memory_space<hbm>>) target(%dma_start3A_7 : memref<128x64xf32, #tpu.memory_space<vmem>>) offsets(%dma_start3A_10 : memref<128xi32, #tpu.memory_space<vmem>>) semaphore(%arg8 : memref<!tpu.dma_semaphore, #tpu.memory_space<semaphore_mem>>)
    %dma_start3A_14 = arith.constant 1 : i32
    %dma_start3A_15 = arith.constant 128 : i32
    %dma_start3A_16 = arith.constant 0 : i32
    %dma_start3A_17 = tpu.memref_slice %arg6[%dma_start3A_15, %dma_start3A_16] : memref<640x64xf32, #tpu.memory_space<vmem>> -> memref<128x64xf32, #tpu.memory_space<vmem>>
    %dma_start3A_18 = arith.constant 0 : i32
    %dma_start3A_19 = tpu.memref_slice %arg5[%dma_start3A_14, %dma_start3A_18] : memref<200x128xi32, #tpu.memory_space<vmem>> -> memref<1x128xi32, #tpu.memory_space<vmem>>
    %dma_start3A_20 = tpu.memref_squeeze %dma_start3A_19 : memref<1x128xi32, #tpu.memory_space<vmem>> -> memref<128xi32, #tpu.memory_space<vmem>>
    %dma_start3A_21 = arith.constant 0 : i32
    %dma_start3A_22 = arith.constant 0 : i32
    %dma_start3A_23 = tpu.memref_slice %arg3[%dma_start3A_21, %dma_start3A_22] : memref<1000000x64xf32, #tpu.memory_space<hbm>> -> memref<1000000x64xf32, #tpu.memory_space<hbm>>
    tpu.enqueue_indirect_dma source(%dma_start3A_23 : memref<1000000x64xf32, #tpu.memory_space<hbm>>) target(%dma_start3A_17 : memref<128x64xf32, #tpu.memory_space<vmem>>) offsets(%dma_start3A_20 : memref<128xi32, #tpu.memory_space<vmem>>) semaphore(%arg8 : memref<!tpu.dma_semaphore, #tpu.memory_space<semaphore_mem>>)
    %dma_start3A_24 = arith.constant 2 : i32
    %dma_start3A_25 = arith.constant 256 : i32
    %dma_start3A_26 = arith.constant 0 : i32
    %dma_start3A_27 = tpu.memref_slice %arg6[%dma_start3A_25, %dma_start3A_26] : memref<640x64xf32, #tpu.memory_space<vmem>> -> memref<128x64xf32, #tpu.memory_space<vmem>>
    %dma_start3A_28 = arith.constant 0 : i32
    %dma_start3A_29 = tpu.memref_slice %arg5[%dma_start3A_24, %dma_start3A_28] : memref<200x128xi32, #tpu.memory_space<vmem>> -> memref<1x128xi32, #tpu.memory_space<vmem>>
    %dma_start3A_30 = tpu.memref_squeeze %dma_start3A_29 : memref<1x128xi32, #tpu.memory_space<vmem>> -> memref<128xi32, #tpu.memory_space<vmem>>
    %dma_start3A_31 = arith.constant 0 : i32
    %dma_start3A_32 = arith.constant 0 : i32
    %dma_start3A_33 = tpu.memref_slice %arg3[%dma_start3A_31, %dma_start3A_32] : memref<1000000x64xf32, #tpu.memory_space<hbm>> -> memref<1000000x64xf32, #tpu.memory_space<hbm>>
    tpu.enqueue_indirect_dma source(%dma_start3A_33 : memref<1000000x64xf32, #tpu.memory_space<hbm>>) target(%dma_start3A_27 : memref<128x64xf32, #tpu.memory_space<vmem>>) offsets(%dma_start3A_30 : memref<128xi32, #tpu.memory_space<vmem>>) semaphore(%arg8 : memref<!tpu.dma_semaphore, #tpu.memory_space<semaphore_mem>>)
    %dma_start3A_34 = arith.constant 3 : i32
    %dma_start3A_35 = arith.constant 384 : i32
    %dma_start3A_36 = arith.constant 0 : i32
    %dma_start3A_37 = tpu.memref_slice %arg6[%dma_start3A_35, %dma_start3A_36] : memref<640x64xf32, #tpu.memory_space<vmem>> -> memref<128x64xf32, #tpu.memory_space<vmem>>
    %dma_start3A_38 = arith.constant 0 : i32
    %dma_start3A_39 = tpu.memref_slice %arg5[%dma_start3A_34, %dma_start3A_38] : memref<200x128xi32, #tpu.memory_space<vmem>> -> memref<1x128xi32, #tpu.memory_space<vmem>>
    %dma_start3A_40 = tpu.memref_squeeze %dma_start3A_39 : memref<1x128xi32, #tpu.memory_space<vmem>> -> memref<128xi32, #tpu.memory_space<vmem>>
    %dma_start3A_41 = arith.constant 0 : i32
    %dma_start3A_42 = arith.constant 0 : i32
    %dma_start3A_43 = tpu.memref_slice %arg3[%dma_start3A_41, %dma_start3A_42] : memref<1000000x64xf32, #tpu.memory_space<hbm>> -> memref<1000000x64xf32, #tpu.memory_space<hbm>>
    tpu.enqueue_indirect_dma source(%dma_start3A_43 : memref<1000000x64xf32, #tpu.memory_space<hbm>>) target(%dma_start3A_37 : memref<128x64xf32, #tpu.memory_space<vmem>>) offsets(%dma_start3A_40 : memref<128xi32, #tpu.memory_space<vmem>>) semaphore(%arg8 : memref<!tpu.dma_semaphore, #tpu.memory_space<semaphore_mem>>)
    %dma_start3A_44 = arith.constant 4 : i32
    %dma_start3A_45 = arith.constant 512 : i32
    %dma_start3A_46 = arith.constant 0 : i32
    %dma_start3A_47 = tpu.memref_slice %arg6[%dma_start3A_45, %dma_start3A_46] : memref<640x64xf32, #tpu.memory_space<vmem>> -> memref<128x64xf32, #tpu.memory_space<vmem>>
    %dma_start3A_48 = arith.constant 0 : i32
    %dma_start3A_49 = tpu.memref_slice %arg5[%dma_start3A_44, %dma_start3A_48] : memref<200x128xi32, #tpu.memory_space<vmem>> -> memref<1x128xi32, #tpu.memory_space<vmem>>
    %dma_start3A_50 = tpu.memref_squeeze %dma_start3A_49 : memref<1x128xi32, #tpu.memory_space<vmem>> -> memref<128xi32, #tpu.memory_space<vmem>>
    %dma_start3A_51 = arith.constant 0 : i32
    %dma_start3A_52 = arith.constant 0 : i32
    %dma_start3A_53 = tpu.memref_slice %arg3[%dma_start3A_51, %dma_start3A_52] : memref<1000000x64xf32, #tpu.memory_space<hbm>> -> memref<1000000x64xf32, #tpu.memory_space<hbm>>
    tpu.enqueue_indirect_dma source(%dma_start3A_53 : memref<1000000x64xf32, #tpu.memory_space<hbm>>) target(%dma_start3A_47 : memref<128x64xf32, #tpu.memory_space<vmem>>) offsets(%dma_start3A_50 : memref<128xi32, #tpu.memory_space<vmem>>) semaphore(%arg8 : memref<!tpu.dma_semaphore, #tpu.memory_space<semaphore_mem>>)
    %dma_start3A_54 = arith.constant 5 : i32
    %dma_start3A_55 = arith.constant 0 : i32
    %dma_start3A_56 = arith.constant 0 : i32
    %dma_start3A_57 = tpu.memref_slice %arg7[%dma_start3A_55, %dma_start3A_56] : memref<640x64xf32, #tpu.memory_space<vmem>> -> memref<128x64xf32, #tpu.memory_space<vmem>>
    %dma_start3A_58 = arith.constant 0 : i32
    %dma_start3A_59 = tpu.memref_slice %arg5[%dma_start3A_54, %dma_start3A_58] : memref<200x128xi32, #tpu.memory_space<vmem>> -> memref<1x128xi32, #tpu.memory_space<vmem>>
    %dma_start3A_60 = tpu.memref_squeeze %dma_start3A_59 : memref<1x128xi32, #tpu.memory_space<vmem>> -> memref<128xi32, #tpu.memory_space<vmem>>
    %dma_start3A_61 = arith.constant 0 : i32
    %dma_start3A_62 = arith.constant 0 : i32
    %dma_start3A_63 = tpu.memref_slice %arg3[%dma_start3A_61, %dma_start3A_62] : memref<1000000x64xf32, #tpu.memory_space<hbm>> -> memref<1000000x64xf32, #tpu.memory_space<hbm>>
    tpu.enqueue_indirect_dma source(%dma_start3A_63 : memref<1000000x64xf32, #tpu.memory_space<hbm>>) target(%dma_start3A_57 : memref<128x64xf32, #tpu.memory_space<vmem>>) offsets(%dma_start3A_60 : memref<128xi32, #tpu.memory_space<vmem>>) semaphore(%arg9 : memref<!tpu.dma_semaphore, #tpu.memory_space<semaphore_mem>>)
    %dma_start3A_64 = arith.constant 6 : i32
    %dma_start3A_65 = arith.constant 128 : i32
    %dma_start3A_66 = arith.constant 0 : i32
    %dma_start3A_67 = tpu.memref_slice %arg7[%dma_start3A_65, %dma_start3A_66] : memref<640x64xf32, #tpu.memory_space<vmem>> -> memref<128x64xf32, #tpu.memory_space<vmem>>
    %dma_start3A_68 = arith.constant 0 : i32
    %dma_start3A_69 = tpu.memref_slice %arg5[%dma_start3A_64, %dma_start3A_68] : memref<200x128xi32, #tpu.memory_space<vmem>> -> memref<1x128xi32, #tpu.memory_space<vmem>>
    %dma_start3A_70 = tpu.memref_squeeze %dma_start3A_69 : memref<1x128xi32, #tpu.memory_space<vmem>> -> memref<128xi32, #tpu.memory_space<vmem>>
    %dma_start3A_71 = arith.constant 0 : i32
    %dma_start3A_72 = arith.constant 0 : i32
    %dma_start3A_73 = tpu.memref_slice %arg3[%dma_start3A_71, %dma_start3A_72] : memref<1000000x64xf32, #tpu.memory_space<hbm>> -> memref<1000000x64xf32, #tpu.memory_space<hbm>>
    tpu.enqueue_indirect_dma source(%dma_start3A_73 : memref<1000000x64xf32, #tpu.memory_space<hbm>>) target(%dma_start3A_67 : memref<128x64xf32, #tpu.memory_space<vmem>>) offsets(%dma_start3A_70 : memref<128xi32, #tpu.memory_space<vmem>>) semaphore(%arg9 : memref<!tpu.dma_semaphore, #tpu.memory_space<semaphore_mem>>)
    %dma_start3A_74 = arith.constant 7 : i32
    %dma_start3A_75 = arith.constant 256 : i32
    %dma_start3A_76 = arith.constant 0 : i32
    %dma_start3A_77 = tpu.memref_slice %arg7[%dma_start3A_75, %dma_start3A_76] : memref<640x64xf32, #tpu.memory_space<vmem>> -> memref<128x64xf32, #tpu.memory_space<vmem>>
    %dma_start3A_78 = arith.constant 0 : i32
    %dma_start3A_79 = tpu.memref_slice %arg5[%dma_start3A_74, %dma_start3A_78] : memref<200x128xi32, #tpu.memory_space<vmem>> -> memref<1x128xi32, #tpu.memory_space<vmem>>
    %dma_start3A_80 = tpu.memref_squeeze %dma_start3A_79 : memref<1x128xi32, #tpu.memory_space<vmem>> -> memref<128xi32, #tpu.memory_space<vmem>>
    %dma_start3A_81 = arith.constant 0 : i32
    %dma_start3A_82 = arith.constant 0 : i32
    %dma_start3A_83 = tpu.memref_slice %arg3[%dma_start3A_81, %dma_start3A_82] : memref<1000000x64xf32, #tpu.memory_space<hbm>> -> memref<1000000x64xf32, #tpu.memory_space<hbm>>
    tpu.enqueue_indirect_dma source(%dma_start3A_83 : memref<1000000x64xf32, #tpu.memory_space<hbm>>) target(%dma_start3A_77 : memref<128x64xf32, #tpu.memory_space<vmem>>) offsets(%dma_start3A_80 : memref<128xi32, #tpu.memory_space<vmem>>) semaphore(%arg9 : memref<!tpu.dma_semaphore, #tpu.memory_space<semaphore_mem>>)
    %dma_start3A_84 = arith.constant 8 : i32
    %dma_start3A_85 = arith.constant 384 : i32
    %dma_start3A_86 = arith.constant 0 : i32
    %dma_start3A_87 = tpu.memref_slice %arg7[%dma_start3A_85, %dma_start3A_86] : memref<640x64xf32, #tpu.memory_space<vmem>> -> memref<128x64xf32, #tpu.memory_space<vmem>>
    %dma_start3A_88 = arith.constant 0 : i32
    %dma_start3A_89 = tpu.memref_slice %arg5[%dma_start3A_84, %dma_start3A_88] : memref<200x128xi32, #tpu.memory_space<vmem>> -> memref<1x128xi32, #tpu.memory_space<vmem>>
    %dma_start3A_90 = tpu.memref_squeeze %dma_start3A_89 : memref<1x128xi32, #tpu.memory_space<vmem>> -> memref<128xi32, #tpu.memory_space<vmem>>
    %dma_start3A_91 = arith.constant 0 : i32
    %dma_start3A_92 = arith.constant 0 : i32
    %dma_start3A_93 = tpu.memref_slice %arg3[%dma_start3A_91, %dma_start3A_92] : memref<1000000x64xf32, #tpu.memory_space<hbm>> -> memref<1000000x64xf32, #tpu.memory_space<hbm>>
    tpu.enqueue_indirect_dma source(%dma_start3A_93 : memref<1000000x64xf32, #tpu.memory_space<hbm>>) target(%dma_start3A_87 : memref<128x64xf32, #tpu.memory_space<vmem>>) offsets(%dma_start3A_90 : memref<128xi32, #tpu.memory_space<vmem>>) semaphore(%arg9 : memref<!tpu.dma_semaphore, #tpu.memory_space<semaphore_mem>>)
    %dma_start3A_94 = arith.constant 9 : i32
    %dma_start3A_95 = arith.constant 512 : i32
    %dma_start3A_96 = arith.constant 0 : i32
    %dma_start3A_97 = tpu.memref_slice %arg7[%dma_start3A_95, %dma_start3A_96] : memref<640x64xf32, #tpu.memory_space<vmem>> -> memref<128x64xf32, #tpu.memory_space<vmem>>
    %dma_start3A_98 = arith.constant 0 : i32
    %dma_start3A_99 = tpu.memref_slice %arg5[%dma_start3A_94, %dma_start3A_98] : memref<200x128xi32, #tpu.memory_space<vmem>> -> memref<1x128xi32, #tpu.memory_space<vmem>>
    %dma_start3A_100 = tpu.memref_squeeze %dma_start3A_99 : memref<1x128xi32, #tpu.memory_space<vmem>> -> memref<128xi32, #tpu.memory_space<vmem>>
    %dma_start3A_101 = arith.constant 0 : i32
    %dma_start3A_102 = arith.constant 0 : i32
    %dma_start3A_103 = tpu.memref_slice %arg3[%dma_start3A_101, %dma_start3A_102] : memref<1000000x64xf32, #tpu.memory_space<hbm>> -> memref<1000000x64xf32, #tpu.memory_space<hbm>>
    tpu.enqueue_indirect_dma source(%dma_start3A_103 : memref<1000000x64xf32, #tpu.memory_space<hbm>>) target(%dma_start3A_97 : memref<128x64xf32, #tpu.memory_space<vmem>>) offsets(%dma_start3A_100 : memref<128xi32, #tpu.memory_space<vmem>>) semaphore(%arg9 : memref<!tpu.dma_semaphore, #tpu.memory_space<semaphore_mem>>)
    %dma_wait3A = arith.constant 0 : i32
    %dma_wait3A_104 = arith.constant 0 : i32
    %dma_wait3A_105 = arith.constant 0 : i32
    %dma_wait3A_106 = tpu.memref_slice %arg6[%dma_wait3A_104, %dma_wait3A_105] : memref<640x64xf32, #tpu.memory_space<vmem>> -> memref<128x64xf32, #tpu.memory_space<vmem>>
    %dma_wait3A_107 = arith.constant 0 : i32
    %dma_wait3A_108 = tpu.memref_slice %arg5[%dma_wait3A, %dma_wait3A_107] : memref<200x128xi32, #tpu.memory_space<vmem>> -> memref<1x128xi32, #tpu.memory_space<vmem>>
    %dma_wait3A_109 = tpu.memref_squeeze %dma_wait3A_108 : memref<1x128xi32, #tpu.memory_space<vmem>> -> memref<128xi32, #tpu.memory_space<vmem>>
    %dma_wait3A_110 = arith.constant 0 : i32
    %dma_wait3A_111 = arith.constant 0 : i32
    %dma_wait3A_112 = tpu.memref_slice %arg3[%dma_wait3A_110, %dma_wait3A_111] : memref<1000000x64xf32, #tpu.memory_space<hbm>> -> memref<1000000x64xf32, #tpu.memory_space<hbm>>
    tpu.wait_indirect_dma semaphore(%arg8 : memref<!tpu.dma_semaphore, #tpu.memory_space<semaphore_mem>>) src(%dma_wait3A_112 : memref<1000000x64xf32, #tpu.memory_space<hbm>>) dst(%dma_wait3A_106 : memref<128x64xf32, #tpu.memory_space<vmem>>)
    %dma_wait3A_113 = arith.constant 1 : i32
    %dma_wait3A_114 = arith.constant 128 : i32
    %dma_wait3A_115 = arith.constant 0 : i32
    %dma_wait3A_116 = tpu.memref_slice %arg6[%dma_wait3A_114, %dma_wait3A_115] : memref<640x64xf32, #tpu.memory_space<vmem>> -> memref<128x64xf32, #tpu.memory_space<vmem>>
    %dma_wait3A_117 = arith.constant 0 : i32
    %dma_wait3A_118 = tpu.memref_slice %arg5[%dma_wait3A_113, %dma_wait3A_117] : memref<200x128xi32, #tpu.memory_space<vmem>> -> memref<1x128xi32, #tpu.memory_space<vmem>>
    %dma_wait3A_119 = tpu.memref_squeeze %dma_wait3A_118 : memref<1x128xi32, #tpu.memory_space<vmem>> -> memref<128xi32, #tpu.memory_space<vmem>>
    %dma_wait3A_120 = arith.constant 0 : i32
    %dma_wait3A_121 = arith.constant 0 : i32
    %dma_wait3A_122 = tpu.memref_slice %arg3[%dma_wait3A_120, %dma_wait3A_121] : memref<1000000x64xf32, #tpu.memory_space<hbm>> -> memref<1000000x64xf32, #tpu.memory_space<hbm>>
    tpu.wait_indirect_dma semaphore(%arg8 : memref<!tpu.dma_semaphore, #tpu.memory_space<semaphore_mem>>) src(%dma_wait3A_122 : memref<1000000x64xf32, #tpu.memory_space<hbm>>) dst(%dma_wait3A_116 : memref<128x64xf32, #tpu.memory_space<vmem>>)
    %dma_wait3A_123 = arith.constant 2 : i32
    %dma_wait3A_124 = arith.constant 256 : i32
    %dma_wait3A_125 = arith.constant 0 : i32
    %dma_wait3A_126 = tpu.memref_slice %arg6[%dma_wait3A_124, %dma_wait3A_125] : memref<640x64xf32, #tpu.memory_space<vmem>> -> memref<128x64xf32, #tpu.memory_space<vmem>>
    %dma_wait3A_127 = arith.constant 0 : i32
    %dma_wait3A_128 = tpu.memref_slice %arg5[%dma_wait3A_123, %dma_wait3A_127] : memref<200x128xi32, #tpu.memory_space<vmem>> -> memref<1x128xi32, #tpu.memory_space<vmem>>
    %dma_wait3A_129 = tpu.memref_squeeze %dma_wait3A_128 : memref<1x128xi32, #tpu.memory_space<vmem>> -> memref<128xi32, #tpu.memory_space<vmem>>
    %dma_wait3A_130 = arith.constant 0 : i32
    %dma_wait3A_131 = arith.constant 0 : i32
    %dma_wait3A_132 = tpu.memref_slice %arg3[%dma_wait3A_130, %dma_wait3A_131] : memref<1000000x64xf32, #tpu.memory_space<hbm>> -> memref<1000000x64xf32, #tpu.memory_space<hbm>>
    tpu.wait_indirect_dma semaphore(%arg8 : memref<!tpu.dma_semaphore, #tpu.memory_space<semaphore_mem>>) src(%dma_wait3A_132 : memref<1000000x64xf32, #tpu.memory_space<hbm>>) dst(%dma_wait3A_126 : memref<128x64xf32, #tpu.memory_space<vmem>>)
    %dma_wait3A_133 = arith.constant 3 : i32
    %dma_wait3A_134 = arith.constant 384 : i32
    %dma_wait3A_135 = arith.constant 0 : i32
    %dma_wait3A_136 = tpu.memref_slice %arg6[%dma_wait3A_134, %dma_wait3A_135] : memref<640x64xf32, #tpu.memory_space<vmem>> -> memref<128x64xf32, #tpu.memory_space<vmem>>
    %dma_wait3A_137 = arith.constant 0 : i32
    %dma_wait3A_138 = tpu.memref_slice %arg5[%dma_wait3A_133, %dma_wait3A_137] : memref<200x128xi32, #tpu.memory_space<vmem>> -> memref<1x128xi32, #tpu.memory_space<vmem>>
    %dma_wait3A_139 = tpu.memref_squeeze %dma_wait3A_138 : memref<1x128xi32, #tpu.memory_space<vmem>> -> memref<128xi32, #tpu.memory_space<vmem>>
    %dma_wait3A_140 = arith.constant 0 : i32
    %dma_wait3A_141 = arith.constant 0 : i32
    %dma_wait3A_142 = tpu.memref_slice %arg3[%dma_wait3A_140, %dma_wait3A_141] : memref<1000000x64xf32, #tpu.memory_space<hbm>> -> memref<1000000x64xf32, #tpu.memory_space<hbm>>
    tpu.wait_indirect_dma semaphore(%arg8 : memref<!tpu.dma_semaphore, #tpu.memory_space<semaphore_mem>>) src(%dma_wait3A_142 : memref<1000000x64xf32, #tpu.memory_space<hbm>>) dst(%dma_wait3A_136 : memref<128x64xf32, #tpu.memory_space<vmem>>)
    %dma_wait3A_143 = arith.constant 4 : i32
    %dma_wait3A_144 = arith.constant 512 : i32
    %dma_wait3A_145 = arith.constant 0 : i32
    %dma_wait3A_146 = tpu.memref_slice %arg6[%dma_wait3A_144, %dma_wait3A_145] : memref<640x64xf32, #tpu.memory_space<vmem>> -> memref<128x64xf32, #tpu.memory_space<vmem>>
    %dma_wait3A_147 = arith.constant 0 : i32
    %dma_wait3A_148 = tpu.memref_slice %arg5[%dma_wait3A_143, %dma_wait3A_147] : memref<200x128xi32, #tpu.memory_space<vmem>> -> memref<1x128xi32, #tpu.memory_space<vmem>>
    %dma_wait3A_149 = tpu.memref_squeeze %dma_wait3A_148 : memref<1x128xi32, #tpu.memory_space<vmem>> -> memref<128xi32, #tpu.memory_space<vmem>>
    %dma_wait3A_150 = arith.constant 0 : i32
    %dma_wait3A_151 = arith.constant 0 : i32
    %dma_wait3A_152 = tpu.memref_slice %arg3[%dma_wait3A_150, %dma_wait3A_151] : memref<1000000x64xf32, #tpu.memory_space<hbm>> -> memref<1000000x64xf32, #tpu.memory_space<hbm>>
    tpu.wait_indirect_dma semaphore(%arg8 : memref<!tpu.dma_semaphore, #tpu.memory_space<semaphore_mem>>) src(%dma_wait3A_152 : memref<1000000x64xf32, #tpu.memory_space<hbm>>) dst(%dma_wait3A_146 : memref<128x64xf32, #tpu.memory_space<vmem>>)
    %add3A_153 = arith.constant 0 : i32
    %add3A_154 = arith.addi %mul3A_4, %add3A_153 : i32
    %dma_start3A_155 = arith.constant 0 : i32
    %dma_start3A_156 = tpu.memref_slice %arg4[%add3A_154, %dma_start3A_155] : memref<819200x64xf32, #tpu.memory_space<hbm>> -> memref<640x64xf32, #tpu.memory_space<hbm>>
    %dma_start3A_157 = arith.constant 0 : i32
    %dma_start3A_158 = tpu.memref_slice %arg4[%add3A_154, %dma_start3A_157] : memref<819200x64xf32, #tpu.memory_space<hbm>> -> memref<640x64xf32, #tpu.memory_space<hbm>>
    tpu.enqueue_dma source(%arg6 : memref<640x64xf32, #tpu.memory_space<vmem>>) target(%dma_start3A_158 : memref<640x64xf32, #tpu.memory_space<hbm>>) target_semaphore(%arg10 : memref<!tpu.dma_semaphore, #tpu.memory_space<semaphore_mem>>)
    %dma_wait3A_159 = arith.constant 5 : i32
    %dma_wait3A_160 = arith.constant 0 : i32
    %dma_wait3A_161 = arith.constant 0 : i32
    %dma_wait3A_162 = tpu.memref_slice %arg7[%dma_wait3A_160, %dma_wait3A_161] : memref<640x64xf32, #tpu.memory_space<vmem>> -> memref<128x64xf32, #tpu.memory_space<vmem>>
    %dma_wait3A_163 = arith.constant 0 : i32
    %dma_wait3A_164 = tpu.memref_slice %arg5[%dma_wait3A_159, %dma_wait3A_163] : memref<200x128xi32, #tpu.memory_space<vmem>> -> memref<1x128xi32, #tpu.memory_space<vmem>>
    %dma_wait3A_165 = tpu.memref_squeeze %dma_wait3A_164 : memref<1x128xi32, #tpu.memory_space<vmem>> -> memref<128xi32, #tpu.memory_space<vmem>>
    %dma_wait3A_166 = arith.constant 0 : i32
    %dma_wait3A_167 = arith.constant 0 : i32
    %dma_wait3A_168 = tpu.memref_slice %arg3[%dma_wait3A_166, %dma_wait3A_167] : memref<1000000x64xf32, #tpu.memory_space<hbm>> -> memref<1000000x64xf32, #tpu.memory_space<hbm>>
    tpu.wait_indirect_dma semaphore(%arg9 : memref<!tpu.dma_semaphore, #tpu.memory_space<semaphore_mem>>) src(%dma_wait3A_168 : memref<1000000x64xf32, #tpu.memory_space<hbm>>) dst(%dma_wait3A_162 : memref<128x64xf32, #tpu.memory_space<vmem>>)
    %dma_wait3A_169 = arith.constant 6 : i32
    %dma_wait3A_170 = arith.constant 128 : i32
    %dma_wait3A_171 = arith.constant 0 : i32
    %dma_wait3A_172 = tpu.memref_slice %arg7[%dma_wait3A_170, %dma_wait3A_171] : memref<640x64xf32, #tpu.memory_space<vmem>> -> memref<128x64xf32, #tpu.memory_space<vmem>>
    %dma_wait3A_173 = arith.constant 0 : i32
    %dma_wait3A_174 = tpu.memref_slice %arg5[%dma_wait3A_169, %dma_wait3A_173] : memref<200x128xi32, #tpu.memory_space<vmem>> -> memref<1x128xi32, #tpu.memory_space<vmem>>
    %dma_wait3A_175 = tpu.memref_squeeze %dma_wait3A_174 : memref<1x128xi32, #tpu.memory_space<vmem>> -> memref<128xi32, #tpu.memory_space<vmem>>
    %dma_wait3A_176 = arith.constant 0 : i32
    %dma_wait3A_177 = arith.constant 0 : i32
    %dma_wait3A_178 = tpu.memref_slice %arg3[%dma_wait3A_176, %dma_wait3A_177] : memref<1000000x64xf32, #tpu.memory_space<hbm>> -> memref<1000000x64xf32, #tpu.memory_space<hbm>>
    tpu.wait_indirect_dma semaphore(%arg9 : memref<!tpu.dma_semaphore, #tpu.memory_space<semaphore_mem>>) src(%dma_wait3A_178 : memref<1000000x64xf32, #tpu.memory_space<hbm>>) dst(%dma_wait3A_172 : memref<128x64xf32, #tpu.memory_space<vmem>>)
    %dma_wait3A_179 = arith.constant 7 : i32
    %dma_wait3A_180 = arith.constant 256 : i32
    %dma_wait3A_181 = arith.constant 0 : i32
    %dma_wait3A_182 = tpu.memref_slice %arg7[%dma_wait3A_180, %dma_wait3A_181] : memref<640x64xf32, #tpu.memory_space<vmem>> -> memref<128x64xf32, #tpu.memory_space<vmem>>
    %dma_wait3A_183 = arith.constant 0 : i32
    %dma_wait3A_184 = tpu.memref_slice %arg5[%dma_wait3A_179, %dma_wait3A_183] : memref<200x128xi32, #tpu.memory_space<vmem>> -> memref<1x128xi32, #tpu.memory_space<vmem>>
    %dma_wait3A_185 = tpu.memref_squeeze %dma_wait3A_184 : memref<1x128xi32, #tpu.memory_space<vmem>> -> memref<128xi32, #tpu.memory_space<vmem>>
    %dma_wait3A_186 = arith.constant 0 : i32
    %dma_wait3A_187 = arith.constant 0 : i32
    %dma_wait3A_188 = tpu.memref_slice %arg3[%dma_wait3A_186, %dma_wait3A_187] : memref<1000000x64xf32, #tpu.memory_space<hbm>> -> memref<1000000x64xf32, #tpu.memory_space<hbm>>
    tpu.wait_indirect_dma semaphore(%arg9 : memref<!tpu.dma_semaphore, #tpu.memory_space<semaphore_mem>>) src(%dma_wait3A_188 : memref<1000000x64xf32, #tpu.memory_space<hbm>>) dst(%dma_wait3A_182 : memref<128x64xf32, #tpu.memory_space<vmem>>)
    %dma_wait3A_189 = arith.constant 8 : i32
    %dma_wait3A_190 = arith.constant 384 : i32
    %dma_wait3A_191 = arith.constant 0 : i32
    %dma_wait3A_192 = tpu.memref_slice %arg7[%dma_wait3A_190, %dma_wait3A_191] : memref<640x64xf32, #tpu.memory_space<vmem>> -> memref<128x64xf32, #tpu.memory_space<vmem>>
    %dma_wait3A_193 = arith.constant 0 : i32
    %dma_wait3A_194 = tpu.memref_slice %arg5[%dma_wait3A_189, %dma_wait3A_193] : memref<200x128xi32, #tpu.memory_space<vmem>> -> memref<1x128xi32, #tpu.memory_space<vmem>>
    %dma_wait3A_195 = tpu.memref_squeeze %dma_wait3A_194 : memref<1x128xi32, #tpu.memory_space<vmem>> -> memref<128xi32, #tpu.memory_space<vmem>>
    %dma_wait3A_196 = arith.constant 0 : i32
    %dma_wait3A_197 = arith.constant 0 : i32
    %dma_wait3A_198 = tpu.memref_slice %arg3[%dma_wait3A_196, %dma_wait3A_197] : memref<1000000x64xf32, #tpu.memory_space<hbm>> -> memref<1000000x64xf32, #tpu.memory_space<hbm>>
    tpu.wait_indirect_dma semaphore(%arg9 : memref<!tpu.dma_semaphore, #tpu.memory_space<semaphore_mem>>) src(%dma_wait3A_198 : memref<1000000x64xf32, #tpu.memory_space<hbm>>) dst(%dma_wait3A_192 : memref<128x64xf32, #tpu.memory_space<vmem>>)
    %dma_wait3A_199 = arith.constant 9 : i32
    %dma_wait3A_200 = arith.constant 512 : i32
    %dma_wait3A_201 = arith.constant 0 : i32
    %dma_wait3A_202 = tpu.memref_slice %arg7[%dma_wait3A_200, %dma_wait3A_201] : memref<640x64xf32, #tpu.memory_space<vmem>> -> memref<128x64xf32, #tpu.memory_space<vmem>>
    %dma_wait3A_203 = arith.constant 0 : i32
    %dma_wait3A_204 = tpu.memref_slice %arg5[%dma_wait3A_199, %dma_wait3A_203] : memref<200x128xi32, #tpu.memory_space<vmem>> -> memref<1x128xi32, #tpu.memory_space<vmem>>
    %dma_wait3A_205 = tpu.memref_squeeze %dma_wait3A_204 : memref<1x128xi32, #tpu.memory_space<vmem>> -> memref<128xi32, #tpu.memory_space<vmem>>
    %dma_wait3A_206 = arith.constant 0 : i32
    %dma_wait3A_207 = arith.constant 0 : i32
    %dma_wait3A_208 = tpu.memref_slice %arg3[%dma_wait3A_206, %dma_wait3A_207] : memref<1000000x64xf32, #tpu.memory_space<hbm>> -> memref<1000000x64xf32, #tpu.memory_space<hbm>>
    tpu.wait_indirect_dma semaphore(%arg9 : memref<!tpu.dma_semaphore, #tpu.memory_space<semaphore_mem>>) src(%dma_wait3A_208 : memref<1000000x64xf32, #tpu.memory_space<hbm>>) dst(%dma_wait3A_202 : memref<128x64xf32, #tpu.memory_space<vmem>>)
    %add3A_209 = arith.constant 640 : i32
    %add3A_210 = arith.addi %mul3A_4, %add3A_209 : i32
    %dma_start3A_211 = arith.constant 0 : i32
    %dma_start3A_212 = tpu.memref_slice %arg4[%add3A_210, %dma_start3A_211] : memref<819200x64xf32, #tpu.memory_space<hbm>> -> memref<640x64xf32, #tpu.memory_space<hbm>>
    %dma_start3A_213 = arith.constant 0 : i32
    %dma_start3A_214 = tpu.memref_slice %arg4[%add3A_210, %dma_start3A_213] : memref<819200x64xf32, #tpu.memory_space<hbm>> -> memref<640x64xf32, #tpu.memory_space<hbm>>
    tpu.enqueue_dma source(%arg7 : memref<640x64xf32, #tpu.memory_space<vmem>>) target(%dma_start3A_214 : memref<640x64xf32, #tpu.memory_space<hbm>>) target_semaphore(%arg11 : memref<!tpu.dma_semaphore, #tpu.memory_space<semaphore_mem>>)
    %scan3A = arith.constant 0 : i32
    %scan3A_215 = arith.constant 1 : i32
    %scan3A_216 = arith.constant 18 : i32
    %scan3A_217 = arith.addi %scan3A_215, %scan3A_216 : i32
    %scan3A_218 = arith.constant 1 : i32
    scf.for %scan3A_456 = %scan3A_215 to %scan3A_217 step %scan3A_218  : i32 {
      %mul3A_457 = arith.constant 2 : i32
      %mul3A_458 = arith.muli %mul3A_457, %scan3A_456 : i32
      %add3A_459 = arith.constant 1 : i32
      %add3A_460 = arith.addi %mul3A_458, %add3A_459 : i32
      %sub3A = arith.constant 2 : i32
      %sub3A_461 = arith.subi %mul3A_458, %sub3A : i32
      %mul3A_462 = arith.constant 640 : i32
      %mul3A_463 = arith.muli %sub3A_461, %mul3A_462 : i32
      %add3A_464 = arith.addi %mul3A_4, %mul3A_463 : i32
      %dma_wait3A_465 = arith.constant 0 : i32
      %dma_wait3A_466 = tpu.memref_slice %arg4[%add3A_464, %dma_wait3A_465] : memref<819200x64xf32, #tpu.memory_space<hbm>> -> memref<640x64xf32, #tpu.memory_space<hbm>>
      %dma_wait3A_467 = arith.constant 0 : i32
      %dma_wait3A_468 = tpu.memref_slice %arg4[%add3A_464, %dma_wait3A_467] : memref<819200x64xf32, #tpu.memory_space<hbm>> -> memref<640x64xf32, #tpu.memory_space<hbm>>
      tpu.wait_dma2 semaphore(%arg10 : memref<!tpu.dma_semaphore, #tpu.memory_space<semaphore_mem>>) src(%arg6 : memref<640x64xf32, #tpu.memory_space<vmem>>) dst(%dma_wait3A_468 : memref<640x64xf32, #tpu.memory_space<hbm>>)
      %mul3A_469 = arith.constant 5 : i32
      %mul3A_470 = arith.muli %mul3A_458, %mul3A_469 : i32
      %add3A_471 = arith.constant 0 : i32
      %add3A_472 = arith.addi %mul3A_470, %add3A_471 : i32
      %dma_start3A_473 = arith.constant 0 : i32
      %dma_start3A_474 = arith.constant 0 : i32
      %dma_start3A_475 = tpu.memref_slice %arg6[%dma_start3A_473, %dma_start3A_474] : memref<640x64xf32, #tpu.memory_space<vmem>> -> memref<128x64xf32, #tpu.memory_space<vmem>>
      %dma_start3A_476 = arith.constant 0 : i32
      %dma_start3A_477 = tpu.memref_slice %arg5[%add3A_472, %dma_start3A_476] : memref<200x128xi32, #tpu.memory_space<vmem>> -> memref<1x128xi32, #tpu.memory_space<vmem>>
      %dma_start3A_478 = tpu.memref_squeeze %dma_start3A_477 : memref<1x128xi32, #tpu.memory_space<vmem>> -> memref<128xi32, #tpu.memory_space<vmem>>
      %dma_start3A_479 = arith.constant 0 : i32
      %dma_start3A_480 = arith.constant 0 : i32
      %dma_start3A_481 = tpu.memref_slice %arg3[%dma_start3A_479, %dma_start3A_480] : memref<1000000x64xf32, #tpu.memory_space<hbm>> -> memref<1000000x64xf32, #tpu.memory_space<hbm>>
      tpu.enqueue_indirect_dma source(%dma_start3A_481 : memref<1000000x64xf32, #tpu.memory_space<hbm>>) target(%dma_start3A_475 : memref<128x64xf32, #tpu.memory_space<vmem>>) offsets(%dma_start3A_478 : memref<128xi32, #tpu.memory_space<vmem>>) semaphore(%arg8 : memref<!tpu.dma_semaphore, #tpu.memory_space<semaphore_mem>>)
      %add3A_482 = arith.constant 1 : i32
      %add3A_483 = arith.addi %mul3A_470, %add3A_482 : i32
      %dma_start3A_484 = arith.constant 128 : i32
      %dma_start3A_485 = arith.constant 0 : i32
      %dma_start3A_486 = tpu.memref_slice %arg6[%dma_start3A_484, %dma_start3A_485] : memref<640x64xf32, #tpu.memory_space<vmem>> -> memref<128x64xf32, #tpu.memory_space<vmem>>
      %dma_start3A_487 = arith.constant 0 : i32
      %dma_start3A_488 = tpu.memref_slice %arg5[%add3A_483, %dma_start3A_487] : memref<200x128xi32, #tpu.memory_space<vmem>> -> memref<1x128xi32, #tpu.memory_space<vmem>>
      %dma_start3A_489 = tpu.memref_squeeze %dma_start3A_488 : memref<1x128xi32, #tpu.memory_space<vmem>> -> memref<128xi32, #tpu.memory_space<vmem>>
      %dma_start3A_490 = arith.constant 0 : i32
      %dma_start3A_491 = arith.constant 0 : i32
      %dma_start3A_492 = tpu.memref_slice %arg3[%dma_start3A_490, %dma_start3A_491] : memref<1000000x64xf32, #tpu.memory_space<hbm>> -> memref<1000000x64xf32, #tpu.memory_space<hbm>>
      tpu.enqueue_indirect_dma source(%dma_start3A_492 : memref<1000000x64xf32, #tpu.memory_space<hbm>>) target(%dma_start3A_486 : memref<128x64xf32, #tpu.memory_space<vmem>>) offsets(%dma_start3A_489 : memref<128xi32, #tpu.memory_space<vmem>>) semaphore(%arg8 : memref<!tpu.dma_semaphore, #tpu.memory_space<semaphore_mem>>)
      %add3A_493 = arith.constant 2 : i32
      %add3A_494 = arith.addi %mul3A_470, %add3A_493 : i32
      %dma_start3A_495 = arith.constant 256 : i32
      %dma_start3A_496 = arith.constant 0 : i32
      %dma_start3A_497 = tpu.memref_slice %arg6[%dma_start3A_495, %dma_start3A_496] : memref<640x64xf32, #tpu.memory_space<vmem>> -> memref<128x64xf32, #tpu.memory_space<vmem>>
      %dma_start3A_498 = arith.constant 0 : i32
      %dma_start3A_499 = tpu.memref_slice %arg5[%add3A_494, %dma_start3A_498] : memref<200x128xi32, #tpu.memory_space<vmem>> -> memref<1x128xi32, #tpu.memory_space<vmem>>
      %dma_start3A_500 = tpu.memref_squeeze %dma_start3A_499 : memref<1x128xi32, #tpu.memory_space<vmem>> -> memref<128xi32, #tpu.memory_space<vmem>>
      %dma_start3A_501 = arith.constant 0 : i32
      %dma_start3A_502 = arith.constant 0 : i32
      %dma_start3A_503 = tpu.memref_slice %arg3[%dma_start3A_501, %dma_start3A_502] : memref<1000000x64xf32, #tpu.memory_space<hbm>> -> memref<1000000x64xf32, #tpu.memory_space<hbm>>
      tpu.enqueue_indirect_dma source(%dma_start3A_503 : memref<1000000x64xf32, #tpu.memory_space<hbm>>) target(%dma_start3A_497 : memref<128x64xf32, #tpu.memory_space<vmem>>) offsets(%dma_start3A_500 : memref<128xi32, #tpu.memory_space<vmem>>) semaphore(%arg8 : memref<!tpu.dma_semaphore, #tpu.memory_space<semaphore_mem>>)
      %add3A_504 = arith.constant 3 : i32
      %add3A_505 = arith.addi %mul3A_470, %add3A_504 : i32
      %dma_start3A_506 = arith.constant 384 : i32
      %dma_start3A_507 = arith.constant 0 : i32
      %dma_start3A_508 = tpu.memref_slice %arg6[%dma_start3A_506, %dma_start3A_507] : memref<640x64xf32, #tpu.memory_space<vmem>> -> memref<128x64xf32, #tpu.memory_space<vmem>>
      %dma_start3A_509 = arith.constant 0 : i32
      %dma_start3A_510 = tpu.memref_slice %arg5[%add3A_505, %dma_start3A_509] : memref<200x128xi32, #tpu.memory_space<vmem>> -> memref<1x128xi32, #tpu.memory_space<vmem>>
      %dma_start3A_511 = tpu.memref_squeeze %dma_start3A_510 : memref<1x128xi32, #tpu.memory_space<vmem>> -> memref<128xi32, #tpu.memory_space<vmem>>
      %dma_start3A_512 = arith.constant 0 : i32
      %dma_start3A_513 = arith.constant 0 : i32
      %dma_start3A_514 = tpu.memref_slice %arg3[%dma_start3A_512, %dma_start3A_513] : memref<1000000x64xf32, #tpu.memory_space<hbm>> -> memref<1000000x64xf32, #tpu.memory_space<hbm>>
      tpu.enqueue_indirect_dma source(%dma_start3A_514 : memref<1000000x64xf32, #tpu.memory_space<hbm>>) target(%dma_start3A_508 : memref<128x64xf32, #tpu.memory_space<vmem>>) offsets(%dma_start3A_511 : memref<128xi32, #tpu.memory_space<vmem>>) semaphore(%arg8 : memref<!tpu.dma_semaphore, #tpu.memory_space<semaphore_mem>>)
      %add3A_515 = arith.constant 4 : i32
      %add3A_516 = arith.addi %mul3A_470, %add3A_515 : i32
      %dma_start3A_517 = arith.constant 512 : i32
      %dma_start3A_518 = arith.constant 0 : i32
      %dma_start3A_519 = tpu.memref_slice %arg6[%dma_start3A_517, %dma_start3A_518] : memref<640x64xf32, #tpu.memory_space<vmem>> -> memref<128x64xf32, #tpu.memory_space<vmem>>
      %dma_start3A_520 = arith.constant 0 : i32
      %dma_start3A_521 = tpu.memref_slice %arg5[%add3A_516, %dma_start3A_520] : memref<200x128xi32, #tpu.memory_space<vmem>> -> memref<1x128xi32, #tpu.memory_space<vmem>>
      %dma_start3A_522 = tpu.memref_squeeze %dma_start3A_521 : memref<1x128xi32, #tpu.memory_space<vmem>> -> memref<128xi32, #tpu.memory_space<vmem>>
      %dma_start3A_523 = arith.constant 0 : i32
      %dma_start3A_524 = arith.constant 0 : i32
      %dma_start3A_525 = tpu.memref_slice %arg3[%dma_start3A_523, %dma_start3A_524] : memref<1000000x64xf32, #tpu.memory_space<hbm>> -> memref<1000000x64xf32, #tpu.memory_space<hbm>>
      tpu.enqueue_indirect_dma source(%dma_start3A_525 : memref<1000000x64xf32, #tpu.memory_space<hbm>>) target(%dma_start3A_519 : memref<128x64xf32, #tpu.memory_space<vmem>>) offsets(%dma_start3A_522 : memref<128xi32, #tpu.memory_space<vmem>>) semaphore(%arg8 : memref<!tpu.dma_semaphore, #tpu.memory_space<semaphore_mem>>)
      %sub3A_526 = arith.constant 2 : i32
      %sub3A_527 = arith.subi %add3A_460, %sub3A_526 : i32
      %mul3A_528 = arith.constant 640 : i32
      %mul3A_529 = arith.muli %sub3A_527, %mul3A_528 : i32
      %add3A_530 = arith.addi %mul3A_4, %mul3A_529 : i32
      %dma_wait3A_531 = arith.constant 0 : i32
      %dma_wait3A_532 = tpu.memref_slice %arg4[%add3A_530, %dma_wait3A_531] : memref<819200x64xf32, #tpu.memory_space<hbm>> -> memref<640x64xf32, #tpu.memory_space<hbm>>
      %dma_wait3A_533 = arith.constant 0 : i32
      %dma_wait3A_534 = tpu.memref_slice %arg4[%add3A_530, %dma_wait3A_533] : memref<819200x64xf32, #tpu.memory_space<hbm>> -> memref<640x64xf32, #tpu.memory_space<hbm>>
      tpu.wait_dma2 semaphore(%arg11 : memref<!tpu.dma_semaphore, #tpu.memory_space<semaphore_mem>>) src(%arg7 : memref<640x64xf32, #tpu.memory_space<vmem>>) dst(%dma_wait3A_534 : memref<640x64xf32, #tpu.memory_space<hbm>>)
      %mul3A_535 = arith.constant 5 : i32
      %mul3A_536 = arith.muli %add3A_460, %mul3A_535 : i32
      %add3A_537 = arith.constant 0 : i32
      %add3A_538 = arith.addi %mul3A_536, %add3A_537 : i32
      %dma_start3A_539 = arith.constant 0 : i32
      %dma_start3A_540 = arith.constant 0 : i32
      %dma_start3A_541 = tpu.memref_slice %arg7[%dma_start3A_539, %dma_start3A_540] : memref<640x64xf32, #tpu.memory_space<vmem>> -> memref<128x64xf32, #tpu.memory_space<vmem>>
      %dma_start3A_542 = arith.constant 0 : i32
      %dma_start3A_543 = tpu.memref_slice %arg5[%add3A_538, %dma_start3A_542] : memref<200x128xi32, #tpu.memory_space<vmem>> -> memref<1x128xi32, #tpu.memory_space<vmem>>
      %dma_start3A_544 = tpu.memref_squeeze %dma_start3A_543 : memref<1x128xi32, #tpu.memory_space<vmem>> -> memref<128xi32, #tpu.memory_space<vmem>>
      %dma_start3A_545 = arith.constant 0 : i32
      %dma_start3A_546 = arith.constant 0 : i32
      %dma_start3A_547 = tpu.memref_slice %arg3[%dma_start3A_545, %dma_start3A_546] : memref<1000000x64xf32, #tpu.memory_space<hbm>> -> memref<1000000x64xf32, #tpu.memory_space<hbm>>
      tpu.enqueue_indirect_dma source(%dma_start3A_547 : memref<1000000x64xf32, #tpu.memory_space<hbm>>) target(%dma_start3A_541 : memref<128x64xf32, #tpu.memory_space<vmem>>) offsets(%dma_start3A_544 : memref<128xi32, #tpu.memory_space<vmem>>) semaphore(%arg9 : memref<!tpu.dma_semaphore, #tpu.memory_space<semaphore_mem>>)
      %add3A_548 = arith.constant 1 : i32
      %add3A_549 = arith.addi %mul3A_536, %add3A_548 : i32
      %dma_start3A_550 = arith.constant 128 : i32
      %dma_start3A_551 = arith.constant 0 : i32
      %dma_start3A_552 = tpu.memref_slice %arg7[%dma_start3A_550, %dma_start3A_551] : memref<640x64xf32, #tpu.memory_space<vmem>> -> memref<128x64xf32, #tpu.memory_space<vmem>>
      %dma_start3A_553 = arith.constant 0 : i32
      %dma_start3A_554 = tpu.memref_slice %arg5[%add3A_549, %dma_start3A_553] : memref<200x128xi32, #tpu.memory_space<vmem>> -> memref<1x128xi32, #tpu.memory_space<vmem>>
      %dma_start3A_555 = tpu.memref_squeeze %dma_start3A_554 : memref<1x128xi32, #tpu.memory_space<vmem>> -> memref<128xi32, #tpu.memory_space<vmem>>
      %dma_start3A_556 = arith.constant 0 : i32
      %dma_start3A_557 = arith.constant 0 : i32
      %dma_start3A_558 = tpu.memref_slice %arg3[%dma_start3A_556, %dma_start3A_557] : memref<1000000x64xf32, #tpu.memory_space<hbm>> -> memref<1000000x64xf32, #tpu.memory_space<hbm>>
      tpu.enqueue_indirect_dma source(%dma_start3A_558 : memref<1000000x64xf32, #tpu.memory_space<hbm>>) target(%dma_start3A_552 : memref<128x64xf32, #tpu.memory_space<vmem>>) offsets(%dma_start3A_555 : memref<128xi32, #tpu.memory_space<vmem>>) semaphore(%arg9 : memref<!tpu.dma_semaphore, #tpu.memory_space<semaphore_mem>>)
      %add3A_559 = arith.constant 2 : i32
      %add3A_560 = arith.addi %mul3A_536, %add3A_559 : i32
      %dma_start3A_561 = arith.constant 256 : i32
      %dma_start3A_562 = arith.constant 0 : i32
      %dma_start3A_563 = tpu.memref_slice %arg7[%dma_start3A_561, %dma_start3A_562] : memref<640x64xf32, #tpu.memory_space<vmem>> -> memref<128x64xf32, #tpu.memory_space<vmem>>
      %dma_start3A_564 = arith.constant 0 : i32
      %dma_start3A_565 = tpu.memref_slice %arg5[%add3A_560, %dma_start3A_564] : memref<200x128xi32, #tpu.memory_space<vmem>> -> memref<1x128xi32, #tpu.memory_space<vmem>>
      %dma_start3A_566 = tpu.memref_squeeze %dma_start3A_565 : memref<1x128xi32, #tpu.memory_space<vmem>> -> memref<128xi32, #tpu.memory_space<vmem>>
      %dma_start3A_567 = arith.constant 0 : i32
      %dma_start3A_568 = arith.constant 0 : i32
      %dma_start3A_569 = tpu.memref_slice %arg3[%dma_start3A_567, %dma_start3A_568] : memref<1000000x64xf32, #tpu.memory_space<hbm>> -> memref<1000000x64xf32, #tpu.memory_space<hbm>>
      tpu.enqueue_indirect_dma source(%dma_start3A_569 : memref<1000000x64xf32, #tpu.memory_space<hbm>>) target(%dma_start3A_563 : memref<128x64xf32, #tpu.memory_space<vmem>>) offsets(%dma_start3A_566 : memref<128xi32, #tpu.memory_space<vmem>>) semaphore(%arg9 : memref<!tpu.dma_semaphore, #tpu.memory_space<semaphore_mem>>)
      %add3A_570 = arith.constant 3 : i32
      %add3A_571 = arith.addi %mul3A_536, %add3A_570 : i32
      %dma_start3A_572 = arith.constant 384 : i32
      %dma_start3A_573 = arith.constant 0 : i32
      %dma_start3A_574 = tpu.memref_slice %arg7[%dma_start3A_572, %dma_start3A_573] : memref<640x64xf32, #tpu.memory_space<vmem>> -> memref<128x64xf32, #tpu.memory_space<vmem>>
      %dma_start3A_575 = arith.constant 0 : i32
      %dma_start3A_576 = tpu.memref_slice %arg5[%add3A_571, %dma_start3A_575] : memref<200x128xi32, #tpu.memory_space<vmem>> -> memref<1x128xi32, #tpu.memory_space<vmem>>
      %dma_start3A_577 = tpu.memref_squeeze %dma_start3A_576 : memref<1x128xi32, #tpu.memory_space<vmem>> -> memref<128xi32, #tpu.memory_space<vmem>>
      %dma_start3A_578 = arith.constant 0 : i32
      %dma_start3A_579 = arith.constant 0 : i32
      %dma_start3A_580 = tpu.memref_slice %arg3[%dma_start3A_578, %dma_start3A_579] : memref<1000000x64xf32, #tpu.memory_space<hbm>> -> memref<1000000x64xf32, #tpu.memory_space<hbm>>
      tpu.enqueue_indirect_dma source(%dma_start3A_580 : memref<1000000x64xf32, #tpu.memory_space<hbm>>) target(%dma_start3A_574 : memref<128x64xf32, #tpu.memory_space<vmem>>) offsets(%dma_start3A_577 : memref<128xi32, #tpu.memory_space<vmem>>) semaphore(%arg9 : memref<!tpu.dma_semaphore, #tpu.memory_space<semaphore_mem>>)
      %add3A_581 = arith.constant 4 : i32
      %add3A_582 = arith.addi %mul3A_536, %add3A_581 : i32
      %dma_start3A_583 = arith.constant 512 : i32
      %dma_start3A_584 = arith.constant 0 : i32
      %dma_start3A_585 = tpu.memref_slice %arg7[%dma_start3A_583, %dma_start3A_584] : memref<640x64xf32, #tpu.memory_space<vmem>> -> memref<128x64xf32, #tpu.memory_space<vmem>>
      %dma_start3A_586 = arith.constant 0 : i32
      %dma_start3A_587 = tpu.memref_slice %arg5[%add3A_582, %dma_start3A_586] : memref<200x128xi32, #tpu.memory_space<vmem>> -> memref<1x128xi32, #tpu.memory_space<vmem>>
      %dma_start3A_588 = tpu.memref_squeeze %dma_start3A_587 : memref<1x128xi32, #tpu.memory_space<vmem>> -> memref<128xi32, #tpu.memory_space<vmem>>
      %dma_start3A_589 = arith.constant 0 : i32
      %dma_start3A_590 = arith.constant 0 : i32
      %dma_start3A_591 = tpu.memref_slice %arg3[%dma_start3A_589, %dma_start3A_590] : memref<1000000x64xf32, #tpu.memory_space<hbm>> -> memref<1000000x64xf32, #tpu.memory_space<hbm>>
      tpu.enqueue_indirect_dma source(%dma_start3A_591 : memref<1000000x64xf32, #tpu.memory_space<hbm>>) target(%dma_start3A_585 : memref<128x64xf32, #tpu.memory_space<vmem>>) offsets(%dma_start3A_588 : memref<128xi32, #tpu.memory_space<vmem>>) semaphore(%arg9 : memref<!tpu.dma_semaphore, #tpu.memory_space<semaphore_mem>>)
      %dma_wait3A_592 = arith.constant 0 : i32
      %dma_wait3A_593 = arith.constant 0 : i32
      %dma_wait3A_594 = tpu.memref_slice %arg6[%dma_wait3A_592, %dma_wait3A_593] : memref<640x64xf32, #tpu.memory_space<vmem>> -> memref<128x64xf32, #tpu.memory_space<vmem>>
      %dma_wait3A_595 = arith.constant 0 : i32
      %dma_wait3A_596 = tpu.memref_slice %arg5[%add3A_472, %dma_wait3A_595] : memref<200x128xi32, #tpu.memory_space<vmem>> -> memref<1x128xi32, #tpu.memory_space<vmem>>
      %dma_wait3A_597 = tpu.memref_squeeze %dma_wait3A_596 : memref<1x128xi32, #tpu.memory_space<vmem>> -> memref<128xi32, #tpu.memory_space<vmem>>
      %dma_wait3A_598 = arith.constant 0 : i32
      %dma_wait3A_599 = arith.constant 0 : i32
      %dma_wait3A_600 = tpu.memref_slice %arg3[%dma_wait3A_598, %dma_wait3A_599] : memref<1000000x64xf32, #tpu.memory_space<hbm>> -> memref<1000000x64xf32, #tpu.memory_space<hbm>>
      tpu.wait_indirect_dma semaphore(%arg8 : memref<!tpu.dma_semaphore, #tpu.memory_space<semaphore_mem>>) src(%dma_wait3A_600 : memref<1000000x64xf32, #tpu.memory_space<hbm>>) dst(%dma_wait3A_594 : memref<128x64xf32, #tpu.memory_space<vmem>>)
      %dma_wait3A_601 = arith.constant 128 : i32
      %dma_wait3A_602 = arith.constant 0 : i32
      %dma_wait3A_603 = tpu.memref_slice %arg6[%dma_wait3A_601, %dma_wait3A_602] : memref<640x64xf32, #tpu.memory_space<vmem>> -> memref<128x64xf32, #tpu.memory_space<vmem>>
      %dma_wait3A_604 = arith.constant 0 : i32
      %dma_wait3A_605 = tpu.memref_slice %arg5[%add3A_483, %dma_wait3A_604] : memref<200x128xi32, #tpu.memory_space<vmem>> -> memref<1x128xi32, #tpu.memory_space<vmem>>
      %dma_wait3A_606 = tpu.memref_squeeze %dma_wait3A_605 : memref<1x128xi32, #tpu.memory_space<vmem>> -> memref<128xi32, #tpu.memory_space<vmem>>
      %dma_wait3A_607 = arith.constant 0 : i32
      %dma_wait3A_608 = arith.constant 0 : i32
      %dma_wait3A_609 = tpu.memref_slice %arg3[%dma_wait3A_607, %dma_wait3A_608] : memref<1000000x64xf32, #tpu.memory_space<hbm>> -> memref<1000000x64xf32, #tpu.memory_space<hbm>>
      tpu.wait_indirect_dma semaphore(%arg8 : memref<!tpu.dma_semaphore, #tpu.memory_space<semaphore_mem>>) src(%dma_wait3A_609 : memref<1000000x64xf32, #tpu.memory_space<hbm>>) dst(%dma_wait3A_603 : memref<128x64xf32, #tpu.memory_space<vmem>>)
      %dma_wait3A_610 = arith.constant 256 : i32
      %dma_wait3A_611 = arith.constant 0 : i32
      %dma_wait3A_612 = tpu.memref_slice %arg6[%dma_wait3A_610, %dma_wait3A_611] : memref<640x64xf32, #tpu.memory_space<vmem>> -> memref<128x64xf32, #tpu.memory_space<vmem>>
      %dma_wait3A_613 = arith.constant 0 : i32
      %dma_wait3A_614 = tpu.memref_slice %arg5[%add3A_494, %dma_wait3A_613] : memref<200x128xi32, #tpu.memory_space<vmem>> -> memref<1x128xi32, #tpu.memory_space<vmem>>
      %dma_wait3A_615 = tpu.memref_squeeze %dma_wait3A_614 : memref<1x128xi32, #tpu.memory_space<vmem>> -> memref<128xi32, #tpu.memory_space<vmem>>
      %dma_wait3A_616 = arith.constant 0 : i32
      %dma_wait3A_617 = arith.constant 0 : i32
      %dma_wait3A_618 = tpu.memref_slice %arg3[%dma_wait3A_616, %dma_wait3A_617] : memref<1000000x64xf32, #tpu.memory_space<hbm>> -> memref<1000000x64xf32, #tpu.memory_space<hbm>>
      tpu.wait_indirect_dma semaphore(%arg8 : memref<!tpu.dma_semaphore, #tpu.memory_space<semaphore_mem>>) src(%dma_wait3A_618 : memref<1000000x64xf32, #tpu.memory_space<hbm>>) dst(%dma_wait3A_612 : memref<128x64xf32, #tpu.memory_space<vmem>>)
      %dma_wait3A_619 = arith.constant 384 : i32
      %dma_wait3A_620 = arith.constant 0 : i32
      %dma_wait3A_621 = tpu.memref_slice %arg6[%dma_wait3A_619, %dma_wait3A_620] : memref<640x64xf32, #tpu.memory_space<vmem>> -> memref<128x64xf32, #tpu.memory_space<vmem>>
      %dma_wait3A_622 = arith.constant 0 : i32
      %dma_wait3A_623 = tpu.memref_slice %arg5[%add3A_505, %dma_wait3A_622] : memref<200x128xi32, #tpu.memory_space<vmem>> -> memref<1x128xi32, #tpu.memory_space<vmem>>
      %dma_wait3A_624 = tpu.memref_squeeze %dma_wait3A_623 : memref<1x128xi32, #tpu.memory_space<vmem>> -> memref<128xi32, #tpu.memory_space<vmem>>
      %dma_wait3A_625 = arith.constant 0 : i32
      %dma_wait3A_626 = arith.constant 0 : i32
      %dma_wait3A_627 = tpu.memref_slice %arg3[%dma_wait3A_625, %dma_wait3A_626] : memref<1000000x64xf32, #tpu.memory_space<hbm>> -> memref<1000000x64xf32, #tpu.memory_space<hbm>>
      tpu.wait_indirect_dma semaphore(%arg8 : memref<!tpu.dma_semaphore, #tpu.memory_space<semaphore_mem>>) src(%dma_wait3A_627 : memref<1000000x64xf32, #tpu.memory_space<hbm>>) dst(%dma_wait3A_621 : memref<128x64xf32, #tpu.memory_space<vmem>>)
      %dma_wait3A_628 = arith.constant 512 : i32
      %dma_wait3A_629 = arith.constant 0 : i32
      %dma_wait3A_630 = tpu.memref_slice %arg6[%dma_wait3A_628, %dma_wait3A_629] : memref<640x64xf32, #tpu.memory_space<vmem>> -> memref<128x64xf32, #tpu.memory_space<vmem>>
      %dma_wait3A_631 = arith.constant 0 : i32
      %dma_wait3A_632 = tpu.memref_slice %arg5[%add3A_516, %dma_wait3A_631] : memref<200x128xi32, #tpu.memory_space<vmem>> -> memref<1x128xi32, #tpu.memory_space<vmem>>
      %dma_wait3A_633 = tpu.memref_squeeze %dma_wait3A_632 : memref<1x128xi32, #tpu.memory_space<vmem>> -> memref<128xi32, #tpu.memory_space<vmem>>
      %dma_wait3A_634 = arith.constant 0 : i32
      %dma_wait3A_635 = arith.constant 0 : i32
      %dma_wait3A_636 = tpu.memref_slice %arg3[%dma_wait3A_634, %dma_wait3A_635] : memref<1000000x64xf32, #tpu.memory_space<hbm>> -> memref<1000000x64xf32, #tpu.memory_space<hbm>>
      tpu.wait_indirect_dma semaphore(%arg8 : memref<!tpu.dma_semaphore, #tpu.memory_space<semaphore_mem>>) src(%dma_wait3A_636 : memref<1000000x64xf32, #tpu.memory_space<hbm>>) dst(%dma_wait3A_630 : memref<128x64xf32, #tpu.memory_space<vmem>>)
      %mul3A_637 = arith.constant 640 : i32
      %mul3A_638 = arith.muli %mul3A_458, %mul3A_637 : i32
      %add3A_639 = arith.addi %mul3A_4, %mul3A_638 : i32
      %dma_start3A_640 = arith.constant 0 : i32
      %dma_start3A_641 = tpu.memref_slice %arg4[%add3A_639, %dma_start3A_640] : memref<819200x64xf32, #tpu.memory_space<hbm>> -> memref<640x64xf32, #tpu.memory_space<hbm>>
      %dma_start3A_642 = arith.constant 0 : i32
      %dma_start3A_643 = tpu.memref_slice %arg4[%add3A_639, %dma_start3A_642] : memref<819200x64xf32, #tpu.memory_space<hbm>> -> memref<640x64xf32, #tpu.memory_space<hbm>>
      tpu.enqueue_dma source(%arg6 : memref<640x64xf32, #tpu.memory_space<vmem>>) target(%dma_start3A_643 : memref<640x64xf32, #tpu.memory_space<hbm>>) target_semaphore(%arg10 : memref<!tpu.dma_semaphore, #tpu.memory_space<semaphore_mem>>)
      %dma_wait3A_644 = arith.constant 0 : i32
      %dma_wait3A_645 = arith.constant 0 : i32
      %dma_wait3A_646 = tpu.memref_slice %arg7[%dma_wait3A_644, %dma_wait3A_645] : memref<640x64xf32, #tpu.memory_space<vmem>> -> memref<128x64xf32, #tpu.memory_space<vmem>>
      %dma_wait3A_647 = arith.constant 0 : i32
      %dma_wait3A_648 = tpu.memref_slice %arg5[%add3A_538, %dma_wait3A_647] : memref<200x128xi32, #tpu.memory_space<vmem>> -> memref<1x128xi32, #tpu.memory_space<vmem>>
      %dma_wait3A_649 = tpu.memref_squeeze %dma_wait3A_648 : memref<1x128xi32, #tpu.memory_space<vmem>> -> memref<128xi32, #tpu.memory_space<vmem>>
      %dma_wait3A_650 = arith.constant 0 : i32
      %dma_wait3A_651 = arith.constant 0 : i32
      %dma_wait3A_652 = tpu.memref_slice %arg3[%dma_wait3A_650, %dma_wait3A_651] : memref<1000000x64xf32, #tpu.memory_space<hbm>> -> memref<1000000x64xf32, #tpu.memory_space<hbm>>
      tpu.wait_indirect_dma semaphore(%arg9 : memref<!tpu.dma_semaphore, #tpu.memory_space<semaphore_mem>>) src(%dma_wait3A_652 : memref<1000000x64xf32, #tpu.memory_space<hbm>>) dst(%dma_wait3A_646 : memref<128x64xf32, #tpu.memory_space<vmem>>)
      %dma_wait3A_653 = arith.constant 128 : i32
      %dma_wait3A_654 = arith.constant 0 : i32
      %dma_wait3A_655 = tpu.memref_slice %arg7[%dma_wait3A_653, %dma_wait3A_654] : memref<640x64xf32, #tpu.memory_space<vmem>> -> memref<128x64xf32, #tpu.memory_space<vmem>>
      %dma_wait3A_656 = arith.constant 0 : i32
      %dma_wait3A_657 = tpu.memref_slice %arg5[%add3A_549, %dma_wait3A_656] : memref<200x128xi32, #tpu.memory_space<vmem>> -> memref<1x128xi32, #tpu.memory_space<vmem>>
      %dma_wait3A_658 = tpu.memref_squeeze %dma_wait3A_657 : memref<1x128xi32, #tpu.memory_space<vmem>> -> memref<128xi32, #tpu.memory_space<vmem>>
      %dma_wait3A_659 = arith.constant 0 : i32
      %dma_wait3A_660 = arith.constant 0 : i32
      %dma_wait3A_661 = tpu.memref_slice %arg3[%dma_wait3A_659, %dma_wait3A_660] : memref<1000000x64xf32, #tpu.memory_space<hbm>> -> memref<1000000x64xf32, #tpu.memory_space<hbm>>
      tpu.wait_indirect_dma semaphore(%arg9 : memref<!tpu.dma_semaphore, #tpu.memory_space<semaphore_mem>>) src(%dma_wait3A_661 : memref<1000000x64xf32, #tpu.memory_space<hbm>>) dst(%dma_wait3A_655 : memref<128x64xf32, #tpu.memory_space<vmem>>)
      %dma_wait3A_662 = arith.constant 256 : i32
      %dma_wait3A_663 = arith.constant 0 : i32
      %dma_wait3A_664 = tpu.memref_slice %arg7[%dma_wait3A_662, %dma_wait3A_663] : memref<640x64xf32, #tpu.memory_space<vmem>> -> memref<128x64xf32, #tpu.memory_space<vmem>>
      %dma_wait3A_665 = arith.constant 0 : i32
      %dma_wait3A_666 = tpu.memref_slice %arg5[%add3A_560, %dma_wait3A_665] : memref<200x128xi32, #tpu.memory_space<vmem>> -> memref<1x128xi32, #tpu.memory_space<vmem>>
      %dma_wait3A_667 = tpu.memref_squeeze %dma_wait3A_666 : memref<1x128xi32, #tpu.memory_space<vmem>> -> memref<128xi32, #tpu.memory_space<vmem>>
      %dma_wait3A_668 = arith.constant 0 : i32
      %dma_wait3A_669 = arith.constant 0 : i32
      %dma_wait3A_670 = tpu.memref_slice %arg3[%dma_wait3A_668, %dma_wait3A_669] : memref<1000000x64xf32, #tpu.memory_space<hbm>> -> memref<1000000x64xf32, #tpu.memory_space<hbm>>
      tpu.wait_indirect_dma semaphore(%arg9 : memref<!tpu.dma_semaphore, #tpu.memory_space<semaphore_mem>>) src(%dma_wait3A_670 : memref<1000000x64xf32, #tpu.memory_space<hbm>>) dst(%dma_wait3A_664 : memref<128x64xf32, #tpu.memory_space<vmem>>)
      %dma_wait3A_671 = arith.constant 384 : i32
      %dma_wait3A_672 = arith.constant 0 : i32
      %dma_wait3A_673 = tpu.memref_slice %arg7[%dma_wait3A_671, %dma_wait3A_672] : memref<640x64xf32, #tpu.memory_space<vmem>> -> memref<128x64xf32, #tpu.memory_space<vmem>>
      %dma_wait3A_674 = arith.constant 0 : i32
      %dma_wait3A_675 = tpu.memref_slice %arg5[%add3A_571, %dma_wait3A_674] : memref<200x128xi32, #tpu.memory_space<vmem>> -> memref<1x128xi32, #tpu.memory_space<vmem>>
      %dma_wait3A_676 = tpu.memref_squeeze %dma_wait3A_675 : memref<1x128xi32, #tpu.memory_space<vmem>> -> memref<128xi32, #tpu.memory_space<vmem>>
      %dma_wait3A_677 = arith.constant 0 : i32
      %dma_wait3A_678 = arith.constant 0 : i32
      %dma_wait3A_679 = tpu.memref_slice %arg3[%dma_wait3A_677, %dma_wait3A_678] : memref<1000000x64xf32, #tpu.memory_space<hbm>> -> memref<1000000x64xf32, #tpu.memory_space<hbm>>
      tpu.wait_indirect_dma semaphore(%arg9 : memref<!tpu.dma_semaphore, #tpu.memory_space<semaphore_mem>>) src(%dma_wait3A_679 : memref<1000000x64xf32, #tpu.memory_space<hbm>>) dst(%dma_wait3A_673 : memref<128x64xf32, #tpu.memory_space<vmem>>)
      %dma_wait3A_680 = arith.constant 512 : i32
      %dma_wait3A_681 = arith.constant 0 : i32
      %dma_wait3A_682 = tpu.memref_slice %arg7[%dma_wait3A_680, %dma_wait3A_681] : memref<640x64xf32, #tpu.memory_space<vmem>> -> memref<128x64xf32, #tpu.memory_space<vmem>>
      %dma_wait3A_683 = arith.constant 0 : i32
      %dma_wait3A_684 = tpu.memref_slice %arg5[%add3A_582, %dma_wait3A_683] : memref<200x128xi32, #tpu.memory_space<vmem>> -> memref<1x128xi32, #tpu.memory_space<vmem>>
      %dma_wait3A_685 = tpu.memref_squeeze %dma_wait3A_684 : memref<1x128xi32, #tpu.memory_space<vmem>> -> memref<128xi32, #tpu.memory_space<vmem>>
      %dma_wait3A_686 = arith.constant 0 : i32
      %dma_wait3A_687 = arith.constant 0 : i32
      %dma_wait3A_688 = tpu.memref_slice %arg3[%dma_wait3A_686, %dma_wait3A_687] : memref<1000000x64xf32, #tpu.memory_space<hbm>> -> memref<1000000x64xf32, #tpu.memory_space<hbm>>
      tpu.wait_indirect_dma semaphore(%arg9 : memref<!tpu.dma_semaphore, #tpu.memory_space<semaphore_mem>>) src(%dma_wait3A_688 : memref<1000000x64xf32, #tpu.memory_space<hbm>>) dst(%dma_wait3A_682 : memref<128x64xf32, #tpu.memory_space<vmem>>)
      %mul3A_689 = arith.constant 640 : i32
      %mul3A_690 = arith.muli %add3A_460, %mul3A_689 : i32
      %add3A_691 = arith.addi %mul3A_4, %mul3A_690 : i32
      %dma_start3A_692 = arith.constant 0 : i32
      %dma_start3A_693 = tpu.memref_slice %arg4[%add3A_691, %dma_start3A_692] : memref<819200x64xf32, #tpu.memory_space<hbm>> -> memref<640x64xf32, #tpu.memory_space<hbm>>
      %dma_start3A_694 = arith.constant 0 : i32
      %dma_start3A_695 = tpu.memref_slice %arg4[%add3A_691, %dma_start3A_694] : memref<819200x64xf32, #tpu.memory_space<hbm>> -> memref<640x64xf32, #tpu.memory_space<hbm>>
      tpu.enqueue_dma source(%arg7 : memref<640x64xf32, #tpu.memory_space<vmem>>) target(%dma_start3A_695 : memref<640x64xf32, #tpu.memory_space<hbm>>) target_semaphore(%arg11 : memref<!tpu.dma_semaphore, #tpu.memory_space<semaphore_mem>>)
    }
    %scan3A_219 = arith.constant 18 : i32
    %add3A_220 = arith.constant 23040 : i32
    %add3A_221 = arith.addi %mul3A_4, %add3A_220 : i32
    %dma_wait3A_222 = arith.constant 0 : i32
    %dma_wait3A_223 = tpu.memref_slice %arg4[%add3A_221, %dma_wait3A_222] : memref<819200x64xf32, #tpu.memory_space<hbm>> -> memref<640x64xf32, #tpu.memory_space<hbm>>
    %dma_wait3A_224 = arith.constant 0 : i32
    %dma_wait3A_225 = tpu.memref_slice %arg4[%add3A_221, %dma_wait3A_224] : memref<819200x64xf32, #tpu.memory_space<hbm>> -> memref<640x64xf32, #tpu.memory_space<hbm>>
    tpu.wait_dma2 semaphore(%arg10 : memref<!tpu.dma_semaphore, #tpu.memory_space<semaphore_mem>>) src(%arg6 : memref<640x64xf32, #tpu.memory_space<vmem>>) dst(%dma_wait3A_225 : memref<640x64xf32, #tpu.memory_space<hbm>>)
    %dma_start3A_226 = arith.constant 190 : i32
    %dma_start3A_227 = arith.constant 0 : i32
    %dma_start3A_228 = arith.constant 0 : i32
    %dma_start3A_229 = tpu.memref_slice %arg6[%dma_start3A_227, %dma_start3A_228] : memref<640x64xf32, #tpu.memory_space<vmem>> -> memref<128x64xf32, #tpu.memory_space<vmem>>
    %dma_start3A_230 = arith.constant 0 : i32
    %dma_start3A_231 = tpu.memref_slice %arg5[%dma_start3A_226, %dma_start3A_230] : memref<200x128xi32, #tpu.memory_space<vmem>> -> memref<1x128xi32, #tpu.memory_space<vmem>>
    %dma_start3A_232 = tpu.memref_squeeze %dma_start3A_231 : memref<1x128xi32, #tpu.memory_space<vmem>> -> memref<128xi32, #tpu.memory_space<vmem>>
    %dma_start3A_233 = arith.constant 0 : i32
    %dma_start3A_234 = arith.constant 0 : i32
    %dma_start3A_235 = tpu.memref_slice %arg3[%dma_start3A_233, %dma_start3A_234] : memref<1000000x64xf32, #tpu.memory_space<hbm>> -> memref<1000000x64xf32, #tpu.memory_space<hbm>>
    tpu.enqueue_indirect_dma source(%dma_start3A_235 : memref<1000000x64xf32, #tpu.memory_space<hbm>>) target(%dma_start3A_229 : memref<128x64xf32, #tpu.memory_space<vmem>>) offsets(%dma_start3A_232 : memref<128xi32, #tpu.memory_space<vmem>>) semaphore(%arg8 : memref<!tpu.dma_semaphore, #tpu.memory_space<semaphore_mem>>)
    %dma_start3A_236 = arith.constant 191 : i32
    %dma_start3A_237 = arith.constant 128 : i32
    %dma_start3A_238 = arith.constant 0 : i32
    %dma_start3A_239 = tpu.memref_slice %arg6[%dma_start3A_237, %dma_start3A_238] : memref<640x64xf32, #tpu.memory_space<vmem>> -> memref<128x64xf32, #tpu.memory_space<vmem>>
    %dma_start3A_240 = arith.constant 0 : i32
    %dma_start3A_241 = tpu.memref_slice %arg5[%dma_start3A_236, %dma_start3A_240] : memref<200x128xi32, #tpu.memory_space<vmem>> -> memref<1x128xi32, #tpu.memory_space<vmem>>
    %dma_start3A_242 = tpu.memref_squeeze %dma_start3A_241 : memref<1x128xi32, #tpu.memory_space<vmem>> -> memref<128xi32, #tpu.memory_space<vmem>>
    %dma_start3A_243 = arith.constant 0 : i32
    %dma_start3A_244 = arith.constant 0 : i32
    %dma_start3A_245 = tpu.memref_slice %arg3[%dma_start3A_243, %dma_start3A_244] : memref<1000000x64xf32, #tpu.memory_space<hbm>> -> memref<1000000x64xf32, #tpu.memory_space<hbm>>
    tpu.enqueue_indirect_dma source(%dma_start3A_245 : memref<1000000x64xf32, #tpu.memory_space<hbm>>) target(%dma_start3A_239 : memref<128x64xf32, #tpu.memory_space<vmem>>) offsets(%dma_start3A_242 : memref<128xi32, #tpu.memory_space<vmem>>) semaphore(%arg8 : memref<!tpu.dma_semaphore, #tpu.memory_space<semaphore_mem>>)
    %dma_start3A_246 = arith.constant 192 : i32
    %dma_start3A_247 = arith.constant 256 : i32
    %dma_start3A_248 = arith.constant 0 : i32
    %dma_start3A_249 = tpu.memref_slice %arg6[%dma_start3A_247, %dma_start3A_248] : memref<640x64xf32, #tpu.memory_space<vmem>> -> memref<128x64xf32, #tpu.memory_space<vmem>>
    %dma_start3A_250 = arith.constant 0 : i32
    %dma_start3A_251 = tpu.memref_slice %arg5[%dma_start3A_246, %dma_start3A_250] : memref<200x128xi32, #tpu.memory_space<vmem>> -> memref<1x128xi32, #tpu.memory_space<vmem>>
    %dma_start3A_252 = tpu.memref_squeeze %dma_start3A_251 : memref<1x128xi32, #tpu.memory_space<vmem>> -> memref<128xi32, #tpu.memory_space<vmem>>
    %dma_start3A_253 = arith.constant 0 : i32
    %dma_start3A_254 = arith.constant 0 : i32
    %dma_start3A_255 = tpu.memref_slice %arg3[%dma_start3A_253, %dma_start3A_254] : memref<1000000x64xf32, #tpu.memory_space<hbm>> -> memref<1000000x64xf32, #tpu.memory_space<hbm>>
    tpu.enqueue_indirect_dma source(%dma_start3A_255 : memref<1000000x64xf32, #tpu.memory_space<hbm>>) target(%dma_start3A_249 : memref<128x64xf32, #tpu.memory_space<vmem>>) offsets(%dma_start3A_252 : memref<128xi32, #tpu.memory_space<vmem>>) semaphore(%arg8 : memref<!tpu.dma_semaphore, #tpu.memory_space<semaphore_mem>>)
    %dma_start3A_256 = arith.constant 193 : i32
    %dma_start3A_257 = arith.constant 384 : i32
    %dma_start3A_258 = arith.constant 0 : i32
    %dma_start3A_259 = tpu.memref_slice %arg6[%dma_start3A_257, %dma_start3A_258] : memref<640x64xf32, #tpu.memory_space<vmem>> -> memref<128x64xf32, #tpu.memory_space<vmem>>
    %dma_start3A_260 = arith.constant 0 : i32
    %dma_start3A_261 = tpu.memref_slice %arg5[%dma_start3A_256, %dma_start3A_260] : memref<200x128xi32, #tpu.memory_space<vmem>> -> memref<1x128xi32, #tpu.memory_space<vmem>>
    %dma_start3A_262 = tpu.memref_squeeze %dma_start3A_261 : memref<1x128xi32, #tpu.memory_space<vmem>> -> memref<128xi32, #tpu.memory_space<vmem>>
    %dma_start3A_263 = arith.constant 0 : i32
    %dma_start3A_264 = arith.constant 0 : i32
    %dma_start3A_265 = tpu.memref_slice %arg3[%dma_start3A_263, %dma_start3A_264] : memref<1000000x64xf32, #tpu.memory_space<hbm>> -> memref<1000000x64xf32, #tpu.memory_space<hbm>>
    tpu.enqueue_indirect_dma source(%dma_start3A_265 : memref<1000000x64xf32, #tpu.memory_space<hbm>>) target(%dma_start3A_259 : memref<128x64xf32, #tpu.memory_space<vmem>>) offsets(%dma_start3A_262 : memref<128xi32, #tpu.memory_space<vmem>>) semaphore(%arg8 : memref<!tpu.dma_semaphore, #tpu.memory_space<semaphore_mem>>)
    %dma_start3A_266 = arith.constant 194 : i32
    %dma_start3A_267 = arith.constant 512 : i32
    %dma_start3A_268 = arith.constant 0 : i32
    %dma_start3A_269 = tpu.memref_slice %arg6[%dma_start3A_267, %dma_start3A_268] : memref<640x64xf32, #tpu.memory_space<vmem>> -> memref<128x64xf32, #tpu.memory_space<vmem>>
    %dma_start3A_270 = arith.constant 0 : i32
    %dma_start3A_271 = tpu.memref_slice %arg5[%dma_start3A_266, %dma_start3A_270] : memref<200x128xi32, #tpu.memory_space<vmem>> -> memref<1x128xi32, #tpu.memory_space<vmem>>
    %dma_start3A_272 = tpu.memref_squeeze %dma_start3A_271 : memref<1x128xi32, #tpu.memory_space<vmem>> -> memref<128xi32, #tpu.memory_space<vmem>>
    %dma_start3A_273 = arith.constant 0 : i32
    %dma_start3A_274 = arith.constant 0 : i32
    %dma_start3A_275 = tpu.memref_slice %arg3[%dma_start3A_273, %dma_start3A_274] : memref<1000000x64xf32, #tpu.memory_space<hbm>> -> memref<1000000x64xf32, #tpu.memory_space<hbm>>
    tpu.enqueue_indirect_dma source(%dma_start3A_275 : memref<1000000x64xf32, #tpu.memory_space<hbm>>) target(%dma_start3A_269 : memref<128x64xf32, #tpu.memory_space<vmem>>) offsets(%dma_start3A_272 : memref<128xi32, #tpu.memory_space<vmem>>) semaphore(%arg8 : memref<!tpu.dma_semaphore, #tpu.memory_space<semaphore_mem>>)
    %add3A_276 = arith.constant 23680 : i32
    %add3A_277 = arith.addi %mul3A_4, %add3A_276 : i32
    %dma_wait3A_278 = arith.constant 0 : i32
    %dma_wait3A_279 = tpu.memref_slice %arg4[%add3A_277, %dma_wait3A_278] : memref<819200x64xf32, #tpu.memory_space<hbm>> -> memref<640x64xf32, #tpu.memory_space<hbm>>
    %dma_wait3A_280 = arith.constant 0 : i32
    %dma_wait3A_281 = tpu.memref_slice %arg4[%add3A_277, %dma_wait3A_280] : memref<819200x64xf32, #tpu.memory_space<hbm>> -> memref<640x64xf32, #tpu.memory_space<hbm>>
    tpu.wait_dma2 semaphore(%arg11 : memref<!tpu.dma_semaphore, #tpu.memory_space<semaphore_mem>>) src(%arg7 : memref<640x64xf32, #tpu.memory_space<vmem>>) dst(%dma_wait3A_281 : memref<640x64xf32, #tpu.memory_space<hbm>>)
    %dma_start3A_282 = arith.constant 195 : i32
    %dma_start3A_283 = arith.constant 0 : i32
    %dma_start3A_284 = arith.constant 0 : i32
    %dma_start3A_285 = tpu.memref_slice %arg7[%dma_start3A_283, %dma_start3A_284] : memref<640x64xf32, #tpu.memory_space<vmem>> -> memref<128x64xf32, #tpu.memory_space<vmem>>
    %dma_start3A_286 = arith.constant 0 : i32
    %dma_start3A_287 = tpu.memref_slice %arg5[%dma_start3A_282, %dma_start3A_286] : memref<200x128xi32, #tpu.memory_space<vmem>> -> memref<1x128xi32, #tpu.memory_space<vmem>>
    %dma_start3A_288 = tpu.memref_squeeze %dma_start3A_287 : memref<1x128xi32, #tpu.memory_space<vmem>> -> memref<128xi32, #tpu.memory_space<vmem>>
    %dma_start3A_289 = arith.constant 0 : i32
    %dma_start3A_290 = arith.constant 0 : i32
    %dma_start3A_291 = tpu.memref_slice %arg3[%dma_start3A_289, %dma_start3A_290] : memref<1000000x64xf32, #tpu.memory_space<hbm>> -> memref<1000000x64xf32, #tpu.memory_space<hbm>>
    tpu.enqueue_indirect_dma source(%dma_start3A_291 : memref<1000000x64xf32, #tpu.memory_space<hbm>>) target(%dma_start3A_285 : memref<128x64xf32, #tpu.memory_space<vmem>>) offsets(%dma_start3A_288 : memref<128xi32, #tpu.memory_space<vmem>>) semaphore(%arg9 : memref<!tpu.dma_semaphore, #tpu.memory_space<semaphore_mem>>)
    %dma_start3A_292 = arith.constant 196 : i32
    %dma_start3A_293 = arith.constant 128 : i32
    %dma_start3A_294 = arith.constant 0 : i32
    %dma_start3A_295 = tpu.memref_slice %arg7[%dma_start3A_293, %dma_start3A_294] : memref<640x64xf32, #tpu.memory_space<vmem>> -> memref<128x64xf32, #tpu.memory_space<vmem>>
    %dma_start3A_296 = arith.constant 0 : i32
    %dma_start3A_297 = tpu.memref_slice %arg5[%dma_start3A_292, %dma_start3A_296] : memref<200x128xi32, #tpu.memory_space<vmem>> -> memref<1x128xi32, #tpu.memory_space<vmem>>
    %dma_start3A_298 = tpu.memref_squeeze %dma_start3A_297 : memref<1x128xi32, #tpu.memory_space<vmem>> -> memref<128xi32, #tpu.memory_space<vmem>>
    %dma_start3A_299 = arith.constant 0 : i32
    %dma_start3A_300 = arith.constant 0 : i32
    %dma_start3A_301 = tpu.memref_slice %arg3[%dma_start3A_299, %dma_start3A_300] : memref<1000000x64xf32, #tpu.memory_space<hbm>> -> memref<1000000x64xf32, #tpu.memory_space<hbm>>
    tpu.enqueue_indirect_dma source(%dma_start3A_301 : memref<1000000x64xf32, #tpu.memory_space<hbm>>) target(%dma_start3A_295 : memref<128x64xf32, #tpu.memory_space<vmem>>) offsets(%dma_start3A_298 : memref<128xi32, #tpu.memory_space<vmem>>) semaphore(%arg9 : memref<!tpu.dma_semaphore, #tpu.memory_space<semaphore_mem>>)
    %dma_start3A_302 = arith.constant 197 : i32
    %dma_start3A_303 = arith.constant 256 : i32
    %dma_start3A_304 = arith.constant 0 : i32
    %dma_start3A_305 = tpu.memref_slice %arg7[%dma_start3A_303, %dma_start3A_304] : memref<640x64xf32, #tpu.memory_space<vmem>> -> memref<128x64xf32, #tpu.memory_space<vmem>>
    %dma_start3A_306 = arith.constant 0 : i32
    %dma_start3A_307 = tpu.memref_slice %arg5[%dma_start3A_302, %dma_start3A_306] : memref<200x128xi32, #tpu.memory_space<vmem>> -> memref<1x128xi32, #tpu.memory_space<vmem>>
    %dma_start3A_308 = tpu.memref_squeeze %dma_start3A_307 : memref<1x128xi32, #tpu.memory_space<vmem>> -> memref<128xi32, #tpu.memory_space<vmem>>
    %dma_start3A_309 = arith.constant 0 : i32
    %dma_start3A_310 = arith.constant 0 : i32
    %dma_start3A_311 = tpu.memref_slice %arg3[%dma_start3A_309, %dma_start3A_310] : memref<1000000x64xf32, #tpu.memory_space<hbm>> -> memref<1000000x64xf32, #tpu.memory_space<hbm>>
    tpu.enqueue_indirect_dma source(%dma_start3A_311 : memref<1000000x64xf32, #tpu.memory_space<hbm>>) target(%dma_start3A_305 : memref<128x64xf32, #tpu.memory_space<vmem>>) offsets(%dma_start3A_308 : memref<128xi32, #tpu.memory_space<vmem>>) semaphore(%arg9 : memref<!tpu.dma_semaphore, #tpu.memory_space<semaphore_mem>>)
    %dma_start3A_312 = arith.constant 198 : i32
    %dma_start3A_313 = arith.constant 384 : i32
    %dma_start3A_314 = arith.constant 0 : i32
    %dma_start3A_315 = tpu.memref_slice %arg7[%dma_start3A_313, %dma_start3A_314] : memref<640x64xf32, #tpu.memory_space<vmem>> -> memref<128x64xf32, #tpu.memory_space<vmem>>
    %dma_start3A_316 = arith.constant 0 : i32
    %dma_start3A_317 = tpu.memref_slice %arg5[%dma_start3A_312, %dma_start3A_316] : memref<200x128xi32, #tpu.memory_space<vmem>> -> memref<1x128xi32, #tpu.memory_space<vmem>>
    %dma_start3A_318 = tpu.memref_squeeze %dma_start3A_317 : memref<1x128xi32, #tpu.memory_space<vmem>> -> memref<128xi32, #tpu.memory_space<vmem>>
    %dma_start3A_319 = arith.constant 0 : i32
    %dma_start3A_320 = arith.constant 0 : i32
    %dma_start3A_321 = tpu.memref_slice %arg3[%dma_start3A_319, %dma_start3A_320] : memref<1000000x64xf32, #tpu.memory_space<hbm>> -> memref<1000000x64xf32, #tpu.memory_space<hbm>>
    tpu.enqueue_indirect_dma source(%dma_start3A_321 : memref<1000000x64xf32, #tpu.memory_space<hbm>>) target(%dma_start3A_315 : memref<128x64xf32, #tpu.memory_space<vmem>>) offsets(%dma_start3A_318 : memref<128xi32, #tpu.memory_space<vmem>>) semaphore(%arg9 : memref<!tpu.dma_semaphore, #tpu.memory_space<semaphore_mem>>)
    %dma_start3A_322 = arith.constant 199 : i32
    %dma_start3A_323 = arith.constant 512 : i32
    %dma_start3A_324 = arith.constant 0 : i32
    %dma_start3A_325 = tpu.memref_slice %arg7[%dma_start3A_323, %dma_start3A_324] : memref<640x64xf32, #tpu.memory_space<vmem>> -> memref<128x64xf32, #tpu.memory_space<vmem>>
    %dma_start3A_326 = arith.constant 0 : i32
    %dma_start3A_327 = tpu.memref_slice %arg5[%dma_start3A_322, %dma_start3A_326] : memref<200x128xi32, #tpu.memory_space<vmem>> -> memref<1x128xi32, #tpu.memory_space<vmem>>
    %dma_start3A_328 = tpu.memref_squeeze %dma_start3A_327 : memref<1x128xi32, #tpu.memory_space<vmem>> -> memref<128xi32, #tpu.memory_space<vmem>>
    %dma_start3A_329 = arith.constant 0 : i32
    %dma_start3A_330 = arith.constant 0 : i32
    %dma_start3A_331 = tpu.memref_slice %arg3[%dma_start3A_329, %dma_start3A_330] : memref<1000000x64xf32, #tpu.memory_space<hbm>> -> memref<1000000x64xf32, #tpu.memory_space<hbm>>
    tpu.enqueue_indirect_dma source(%dma_start3A_331 : memref<1000000x64xf32, #tpu.memory_space<hbm>>) target(%dma_start3A_325 : memref<128x64xf32, #tpu.memory_space<vmem>>) offsets(%dma_start3A_328 : memref<128xi32, #tpu.memory_space<vmem>>) semaphore(%arg9 : memref<!tpu.dma_semaphore, #tpu.memory_space<semaphore_mem>>)
    %dma_wait3A_332 = arith.constant 190 : i32
    %dma_wait3A_333 = arith.constant 0 : i32
    %dma_wait3A_334 = arith.constant 0 : i32
    %dma_wait3A_335 = tpu.memref_slice %arg6[%dma_wait3A_333, %dma_wait3A_334] : memref<640x64xf32, #tpu.memory_space<vmem>> -> memref<128x64xf32, #tpu.memory_space<vmem>>
    %dma_wait3A_336 = arith.constant 0 : i32
    %dma_wait3A_337 = tpu.memref_slice %arg5[%dma_wait3A_332, %dma_wait3A_336] : memref<200x128xi32, #tpu.memory_space<vmem>> -> memref<1x128xi32, #tpu.memory_space<vmem>>
    %dma_wait3A_338 = tpu.memref_squeeze %dma_wait3A_337 : memref<1x128xi32, #tpu.memory_space<vmem>> -> memref<128xi32, #tpu.memory_space<vmem>>
    %dma_wait3A_339 = arith.constant 0 : i32
    %dma_wait3A_340 = arith.constant 0 : i32
    %dma_wait3A_341 = tpu.memref_slice %arg3[%dma_wait3A_339, %dma_wait3A_340] : memref<1000000x64xf32, #tpu.memory_space<hbm>> -> memref<1000000x64xf32, #tpu.memory_space<hbm>>
    tpu.wait_indirect_dma semaphore(%arg8 : memref<!tpu.dma_semaphore, #tpu.memory_space<semaphore_mem>>) src(%dma_wait3A_341 : memref<1000000x64xf32, #tpu.memory_space<hbm>>) dst(%dma_wait3A_335 : memref<128x64xf32, #tpu.memory_space<vmem>>)
    %dma_wait3A_342 = arith.constant 191 : i32
    %dma_wait3A_343 = arith.constant 128 : i32
    %dma_wait3A_344 = arith.constant 0 : i32
    %dma_wait3A_345 = tpu.memref_slice %arg6[%dma_wait3A_343, %dma_wait3A_344] : memref<640x64xf32, #tpu.memory_space<vmem>> -> memref<128x64xf32, #tpu.memory_space<vmem>>
    %dma_wait3A_346 = arith.constant 0 : i32
    %dma_wait3A_347 = tpu.memref_slice %arg5[%dma_wait3A_342, %dma_wait3A_346] : memref<200x128xi32, #tpu.memory_space<vmem>> -> memref<1x128xi32, #tpu.memory_space<vmem>>
    %dma_wait3A_348 = tpu.memref_squeeze %dma_wait3A_347 : memref<1x128xi32, #tpu.memory_space<vmem>> -> memref<128xi32, #tpu.memory_space<vmem>>
    %dma_wait3A_349 = arith.constant 0 : i32
    %dma_wait3A_350 = arith.constant 0 : i32
    %dma_wait3A_351 = tpu.memref_slice %arg3[%dma_wait3A_349, %dma_wait3A_350] : memref<1000000x64xf32, #tpu.memory_space<hbm>> -> memref<1000000x64xf32, #tpu.memory_space<hbm>>
    tpu.wait_indirect_dma semaphore(%arg8 : memref<!tpu.dma_semaphore, #tpu.memory_space<semaphore_mem>>) src(%dma_wait3A_351 : memref<1000000x64xf32, #tpu.memory_space<hbm>>) dst(%dma_wait3A_345 : memref<128x64xf32, #tpu.memory_space<vmem>>)
    %dma_wait3A_352 = arith.constant 192 : i32
    %dma_wait3A_353 = arith.constant 256 : i32
    %dma_wait3A_354 = arith.constant 0 : i32
    %dma_wait3A_355 = tpu.memref_slice %arg6[%dma_wait3A_353, %dma_wait3A_354] : memref<640x64xf32, #tpu.memory_space<vmem>> -> memref<128x64xf32, #tpu.memory_space<vmem>>
    %dma_wait3A_356 = arith.constant 0 : i32
    %dma_wait3A_357 = tpu.memref_slice %arg5[%dma_wait3A_352, %dma_wait3A_356] : memref<200x128xi32, #tpu.memory_space<vmem>> -> memref<1x128xi32, #tpu.memory_space<vmem>>
    %dma_wait3A_358 = tpu.memref_squeeze %dma_wait3A_357 : memref<1x128xi32, #tpu.memory_space<vmem>> -> memref<128xi32, #tpu.memory_space<vmem>>
    %dma_wait3A_359 = arith.constant 0 : i32
    %dma_wait3A_360 = arith.constant 0 : i32
    %dma_wait3A_361 = tpu.memref_slice %arg3[%dma_wait3A_359, %dma_wait3A_360] : memref<1000000x64xf32, #tpu.memory_space<hbm>> -> memref<1000000x64xf32, #tpu.memory_space<hbm>>
    tpu.wait_indirect_dma semaphore(%arg8 : memref<!tpu.dma_semaphore, #tpu.memory_space<semaphore_mem>>) src(%dma_wait3A_361 : memref<1000000x64xf32, #tpu.memory_space<hbm>>) dst(%dma_wait3A_355 : memref<128x64xf32, #tpu.memory_space<vmem>>)
    %dma_wait3A_362 = arith.constant 193 : i32
    %dma_wait3A_363 = arith.constant 384 : i32
    %dma_wait3A_364 = arith.constant 0 : i32
    %dma_wait3A_365 = tpu.memref_slice %arg6[%dma_wait3A_363, %dma_wait3A_364] : memref<640x64xf32, #tpu.memory_space<vmem>> -> memref<128x64xf32, #tpu.memory_space<vmem>>
    %dma_wait3A_366 = arith.constant 0 : i32
    %dma_wait3A_367 = tpu.memref_slice %arg5[%dma_wait3A_362, %dma_wait3A_366] : memref<200x128xi32, #tpu.memory_space<vmem>> -> memref<1x128xi32, #tpu.memory_space<vmem>>
    %dma_wait3A_368 = tpu.memref_squeeze %dma_wait3A_367 : memref<1x128xi32, #tpu.memory_space<vmem>> -> memref<128xi32, #tpu.memory_space<vmem>>
    %dma_wait3A_369 = arith.constant 0 : i32
    %dma_wait3A_370 = arith.constant 0 : i32
    %dma_wait3A_371 = tpu.memref_slice %arg3[%dma_wait3A_369, %dma_wait3A_370] : memref<1000000x64xf32, #tpu.memory_space<hbm>> -> memref<1000000x64xf32, #tpu.memory_space<hbm>>
    tpu.wait_indirect_dma semaphore(%arg8 : memref<!tpu.dma_semaphore, #tpu.memory_space<semaphore_mem>>) src(%dma_wait3A_371 : memref<1000000x64xf32, #tpu.memory_space<hbm>>) dst(%dma_wait3A_365 : memref<128x64xf32, #tpu.memory_space<vmem>>)
    %dma_wait3A_372 = arith.constant 194 : i32
    %dma_wait3A_373 = arith.constant 512 : i32
    %dma_wait3A_374 = arith.constant 0 : i32
    %dma_wait3A_375 = tpu.memref_slice %arg6[%dma_wait3A_373, %dma_wait3A_374] : memref<640x64xf32, #tpu.memory_space<vmem>> -> memref<128x64xf32, #tpu.memory_space<vmem>>
    %dma_wait3A_376 = arith.constant 0 : i32
    %dma_wait3A_377 = tpu.memref_slice %arg5[%dma_wait3A_372, %dma_wait3A_376] : memref<200x128xi32, #tpu.memory_space<vmem>> -> memref<1x128xi32, #tpu.memory_space<vmem>>
    %dma_wait3A_378 = tpu.memref_squeeze %dma_wait3A_377 : memref<1x128xi32, #tpu.memory_space<vmem>> -> memref<128xi32, #tpu.memory_space<vmem>>
    %dma_wait3A_379 = arith.constant 0 : i32
    %dma_wait3A_380 = arith.constant 0 : i32
    %dma_wait3A_381 = tpu.memref_slice %arg3[%dma_wait3A_379, %dma_wait3A_380] : memref<1000000x64xf32, #tpu.memory_space<hbm>> -> memref<1000000x64xf32, #tpu.memory_space<hbm>>
    tpu.wait_indirect_dma semaphore(%arg8 : memref<!tpu.dma_semaphore, #tpu.memory_space<semaphore_mem>>) src(%dma_wait3A_381 : memref<1000000x64xf32, #tpu.memory_space<hbm>>) dst(%dma_wait3A_375 : memref<128x64xf32, #tpu.memory_space<vmem>>)
    %add3A_382 = arith.constant 24320 : i32
    %add3A_383 = arith.addi %mul3A_4, %add3A_382 : i32
    %dma_start3A_384 = arith.constant 0 : i32
    %dma_start3A_385 = tpu.memref_slice %arg4[%add3A_383, %dma_start3A_384] : memref<819200x64xf32, #tpu.memory_space<hbm>> -> memref<640x64xf32, #tpu.memory_space<hbm>>
    %dma_start3A_386 = arith.constant 0 : i32
    %dma_start3A_387 = tpu.memref_slice %arg4[%add3A_383, %dma_start3A_386] : memref<819200x64xf32, #tpu.memory_space<hbm>> -> memref<640x64xf32, #tpu.memory_space<hbm>>
    tpu.enqueue_dma source(%arg6 : memref<640x64xf32, #tpu.memory_space<vmem>>) target(%dma_start3A_387 : memref<640x64xf32, #tpu.memory_space<hbm>>) target_semaphore(%arg10 : memref<!tpu.dma_semaphore, #tpu.memory_space<semaphore_mem>>)
    %dma_wait3A_388 = arith.constant 195 : i32
    %dma_wait3A_389 = arith.constant 0 : i32
    %dma_wait3A_390 = arith.constant 0 : i32
    %dma_wait3A_391 = tpu.memref_slice %arg7[%dma_wait3A_389, %dma_wait3A_390] : memref<640x64xf32, #tpu.memory_space<vmem>> -> memref<128x64xf32, #tpu.memory_space<vmem>>
    %dma_wait3A_392 = arith.constant 0 : i32
    %dma_wait3A_393 = tpu.memref_slice %arg5[%dma_wait3A_388, %dma_wait3A_392] : memref<200x128xi32, #tpu.memory_space<vmem>> -> memref<1x128xi32, #tpu.memory_space<vmem>>
    %dma_wait3A_394 = tpu.memref_squeeze %dma_wait3A_393 : memref<1x128xi32, #tpu.memory_space<vmem>> -> memref<128xi32, #tpu.memory_space<vmem>>
    %dma_wait3A_395 = arith.constant 0 : i32
    %dma_wait3A_396 = arith.constant 0 : i32
    %dma_wait3A_397 = tpu.memref_slice %arg3[%dma_wait3A_395, %dma_wait3A_396] : memref<1000000x64xf32, #tpu.memory_space<hbm>> -> memref<1000000x64xf32, #tpu.memory_space<hbm>>
    tpu.wait_indirect_dma semaphore(%arg9 : memref<!tpu.dma_semaphore, #tpu.memory_space<semaphore_mem>>) src(%dma_wait3A_397 : memref<1000000x64xf32, #tpu.memory_space<hbm>>) dst(%dma_wait3A_391 : memref<128x64xf32, #tpu.memory_space<vmem>>)
    %dma_wait3A_398 = arith.constant 196 : i32
    %dma_wait3A_399 = arith.constant 128 : i32
    %dma_wait3A_400 = arith.constant 0 : i32
    %dma_wait3A_401 = tpu.memref_slice %arg7[%dma_wait3A_399, %dma_wait3A_400] : memref<640x64xf32, #tpu.memory_space<vmem>> -> memref<128x64xf32, #tpu.memory_space<vmem>>
    %dma_wait3A_402 = arith.constant 0 : i32
    %dma_wait3A_403 = tpu.memref_slice %arg5[%dma_wait3A_398, %dma_wait3A_402] : memref<200x128xi32, #tpu.memory_space<vmem>> -> memref<1x128xi32, #tpu.memory_space<vmem>>
    %dma_wait3A_404 = tpu.memref_squeeze %dma_wait3A_403 : memref<1x128xi32, #tpu.memory_space<vmem>> -> memref<128xi32, #tpu.memory_space<vmem>>
    %dma_wait3A_405 = arith.constant 0 : i32
    %dma_wait3A_406 = arith.constant 0 : i32
    %dma_wait3A_407 = tpu.memref_slice %arg3[%dma_wait3A_405, %dma_wait3A_406] : memref<1000000x64xf32, #tpu.memory_space<hbm>> -> memref<1000000x64xf32, #tpu.memory_space<hbm>>
    tpu.wait_indirect_dma semaphore(%arg9 : memref<!tpu.dma_semaphore, #tpu.memory_space<semaphore_mem>>) src(%dma_wait3A_407 : memref<1000000x64xf32, #tpu.memory_space<hbm>>) dst(%dma_wait3A_401 : memref<128x64xf32, #tpu.memory_space<vmem>>)
    %dma_wait3A_408 = arith.constant 197 : i32
    %dma_wait3A_409 = arith.constant 256 : i32
    %dma_wait3A_410 = arith.constant 0 : i32
    %dma_wait3A_411 = tpu.memref_slice %arg7[%dma_wait3A_409, %dma_wait3A_410] : memref<640x64xf32, #tpu.memory_space<vmem>> -> memref<128x64xf32, #tpu.memory_space<vmem>>
    %dma_wait3A_412 = arith.constant 0 : i32
    %dma_wait3A_413 = tpu.memref_slice %arg5[%dma_wait3A_408, %dma_wait3A_412] : memref<200x128xi32, #tpu.memory_space<vmem>> -> memref<1x128xi32, #tpu.memory_space<vmem>>
    %dma_wait3A_414 = tpu.memref_squeeze %dma_wait3A_413 : memref<1x128xi32, #tpu.memory_space<vmem>> -> memref<128xi32, #tpu.memory_space<vmem>>
    %dma_wait3A_415 = arith.constant 0 : i32
    %dma_wait3A_416 = arith.constant 0 : i32
    %dma_wait3A_417 = tpu.memref_slice %arg3[%dma_wait3A_415, %dma_wait3A_416] : memref<1000000x64xf32, #tpu.memory_space<hbm>> -> memref<1000000x64xf32, #tpu.memory_space<hbm>>
    tpu.wait_indirect_dma semaphore(%arg9 : memref<!tpu.dma_semaphore, #tpu.memory_space<semaphore_mem>>) src(%dma_wait3A_417 : memref<1000000x64xf32, #tpu.memory_space<hbm>>) dst(%dma_wait3A_411 : memref<128x64xf32, #tpu.memory_space<vmem>>)
    %dma_wait3A_418 = arith.constant 198 : i32
    %dma_wait3A_419 = arith.constant 384 : i32
    %dma_wait3A_420 = arith.constant 0 : i32
    %dma_wait3A_421 = tpu.memref_slice %arg7[%dma_wait3A_419, %dma_wait3A_420] : memref<640x64xf32, #tpu.memory_space<vmem>> -> memref<128x64xf32, #tpu.memory_space<vmem>>
    %dma_wait3A_422 = arith.constant 0 : i32
    %dma_wait3A_423 = tpu.memref_slice %arg5[%dma_wait3A_418, %dma_wait3A_422] : memref<200x128xi32, #tpu.memory_space<vmem>> -> memref<1x128xi32, #tpu.memory_space<vmem>>
    %dma_wait3A_424 = tpu.memref_squeeze %dma_wait3A_423 : memref<1x128xi32, #tpu.memory_space<vmem>> -> memref<128xi32, #tpu.memory_space<vmem>>
    %dma_wait3A_425 = arith.constant 0 : i32
    %dma_wait3A_426 = arith.constant 0 : i32
    %dma_wait3A_427 = tpu.memref_slice %arg3[%dma_wait3A_425, %dma_wait3A_426] : memref<1000000x64xf32, #tpu.memory_space<hbm>> -> memref<1000000x64xf32, #tpu.memory_space<hbm>>
    tpu.wait_indirect_dma semaphore(%arg9 : memref<!tpu.dma_semaphore, #tpu.memory_space<semaphore_mem>>) src(%dma_wait3A_427 : memref<1000000x64xf32, #tpu.memory_space<hbm>>) dst(%dma_wait3A_421 : memref<128x64xf32, #tpu.memory_space<vmem>>)
    %dma_wait3A_428 = arith.constant 199 : i32
    %dma_wait3A_429 = arith.constant 512 : i32
    %dma_wait3A_430 = arith.constant 0 : i32
    %dma_wait3A_431 = tpu.memref_slice %arg7[%dma_wait3A_429, %dma_wait3A_430] : memref<640x64xf32, #tpu.memory_space<vmem>> -> memref<128x64xf32, #tpu.memory_space<vmem>>
    %dma_wait3A_432 = arith.constant 0 : i32
    %dma_wait3A_433 = tpu.memref_slice %arg5[%dma_wait3A_428, %dma_wait3A_432] : memref<200x128xi32, #tpu.memory_space<vmem>> -> memref<1x128xi32, #tpu.memory_space<vmem>>
    %dma_wait3A_434 = tpu.memref_squeeze %dma_wait3A_433 : memref<1x128xi32, #tpu.memory_space<vmem>> -> memref<128xi32, #tpu.memory_space<vmem>>
    %dma_wait3A_435 = arith.constant 0 : i32
    %dma_wait3A_436 = arith.constant 0 : i32
    %dma_wait3A_437 = tpu.memref_slice %arg3[%dma_wait3A_435, %dma_wait3A_436] : memref<1000000x64xf32, #tpu.memory_space<hbm>> -> memref<1000000x64xf32, #tpu.memory_space<hbm>>
    tpu.wait_indirect_dma semaphore(%arg9 : memref<!tpu.dma_semaphore, #tpu.memory_space<semaphore_mem>>) src(%dma_wait3A_437 : memref<1000000x64xf32, #tpu.memory_space<hbm>>) dst(%dma_wait3A_431 : memref<128x64xf32, #tpu.memory_space<vmem>>)
    %add3A_438 = arith.constant 24960 : i32
    %add3A_439 = arith.addi %mul3A_4, %add3A_438 : i32
    %dma_start3A_440 = arith.constant 0 : i32
    %dma_start3A_441 = tpu.memref_slice %arg4[%add3A_439, %dma_start3A_440] : memref<819200x64xf32, #tpu.memory_space<hbm>> -> memref<640x64xf32, #tpu.memory_space<hbm>>
    %dma_start3A_442 = arith.constant 0 : i32
    %dma_start3A_443 = tpu.memref_slice %arg4[%add3A_439, %dma_start3A_442] : memref<819200x64xf32, #tpu.memory_space<hbm>> -> memref<640x64xf32, #tpu.memory_space<hbm>>
    tpu.enqueue_dma source(%arg7 : memref<640x64xf32, #tpu.memory_space<vmem>>) target(%dma_start3A_443 : memref<640x64xf32, #tpu.memory_space<hbm>>) target_semaphore(%arg11 : memref<!tpu.dma_semaphore, #tpu.memory_space<semaphore_mem>>)
    %add3A_444 = arith.constant 24320 : i32
    %add3A_445 = arith.addi %mul3A_4, %add3A_444 : i32
    %dma_wait3A_446 = arith.constant 0 : i32
    %dma_wait3A_447 = tpu.memref_slice %arg4[%add3A_445, %dma_wait3A_446] : memref<819200x64xf32, #tpu.memory_space<hbm>> -> memref<640x64xf32, #tpu.memory_space<hbm>>
    %dma_wait3A_448 = arith.constant 0 : i32
    %dma_wait3A_449 = tpu.memref_slice %arg4[%add3A_445, %dma_wait3A_448] : memref<819200x64xf32, #tpu.memory_space<hbm>> -> memref<640x64xf32, #tpu.memory_space<hbm>>
    tpu.wait_dma2 semaphore(%arg10 : memref<!tpu.dma_semaphore, #tpu.memory_space<semaphore_mem>>) src(%arg6 : memref<640x64xf32, #tpu.memory_space<vmem>>) dst(%dma_wait3A_449 : memref<640x64xf32, #tpu.memory_space<hbm>>)
    %add3A_450 = arith.constant 24960 : i32
    %add3A_451 = arith.addi %mul3A_4, %add3A_450 : i32
    %dma_wait3A_452 = arith.constant 0 : i32
    %dma_wait3A_453 = tpu.memref_slice %arg4[%add3A_451, %dma_wait3A_452] : memref<819200x64xf32, #tpu.memory_space<hbm>> -> memref<640x64xf32, #tpu.memory_space<hbm>>
    %dma_wait3A_454 = arith.constant 0 : i32
    %dma_wait3A_455 = tpu.memref_slice %arg4[%add3A_451, %dma_wait3A_454] : memref<819200x64xf32, #tpu.memory_space<hbm>> -> memref<640x64xf32, #tpu.memory_space<hbm>>
    tpu.wait_dma2 semaphore(%arg11 : memref<!tpu.dma_semaphore, #tpu.memory_space<semaphore_mem>>) src(%arg7 : memref<640x64xf32, #tpu.memory_space<vmem>>) dst(%dma_wait3A_455 : memref<640x64xf32, #tpu.memory_space<hbm>>)
    return
  }
}

</mosaic_0001>

<sc_bundles>
// kernel: kernel.3.cloned.1.call-start
scs
__scs_entry_jumppad:
0x0: {  	(pc) =	sbr.rel $0x88, $3  }
0x1: {  	(tag) =	ssettag $0x0;
	lr =	simm.s32 $0x1  }
0x2: {  	[smem:$0x3F9F] =	sst lr;
	_ =	strace $0xD0000000  }
0x3: {  	_ = 	snop  }
0x4: {  	_ = 	snop  }
0x5: {  	_ = 	snop  }
0x6: {  	_ = 	snop  }
0x7: {  	_ = 	snop  }
__scs_overlays_trampoline_lowered:
0x8: {  	[smem:$0x3FAE] =	sst s0  }
0x9: {  	[smem:$0x3FAF] =	sst s1  }
0xa: {  	[smem:$0x3FB0] =	sst s2  }
0xb: {  	[smem:$0x3FB1] =	sst s3  }
0xc: {  	[smem:$0x3FB2] =	sst s4  }
0xd: {  	[smem:$0x3FB3] =	sst s5  }
0xe: {  	[smem:$0x3FB4] =	sst s6  }
0xf: {  	[smem:$0x3FB5] =	sst s7  }
0x10: {  	[smem:$0x3FB6] =	sst s8  }
0x11: {  	[smem:$0x3FB7] =	sst s9;
	s0 =	simm.s32 @!p0 $0x0  }
0x12: {  	s1 =	sld [smem:$0x3F9D];
	s0 =	simm.s32 @p0 $0x1  }
0x13: {  	[smem:$0x3FB8] =	sst s0;
	s0 =	simm.s32 @!p1 $0x0  }
0x14: {  	s2 =	sld [smem:$0x3F9C];
	s0 =	simm.s32 @p1 $0x1  }
0x15: {  	[smem:$0x3FB9] =	sst s0;
	s0 =	simm.s32 @!p2 $0x0  }
0x16: {  	s3 =	sld [smem:$0x3FDB];
	s0 =	simm.s32 @p2 $0x1  }
0x17: {  	s4 =	simm.s32 $0x1BF5;
	[smem:$0x3FBB] =	sst s0  }
0x18: {  	s0 =	sld [smem:$0x3F9E];
	_ =	swait.ge [sflag:s4], $0x0  }
0x19: {  	s7 =	sld [smem:$0x3F9F]  }
0x1a: {  	s8 =	sadd.s32 $0xFFFFE003, lr  }
0x1b: {  	s9 =	sadd.s32 $0xFFFFFEF7, lr;
	s5 =	simm.s32 $0xFFFFFFFF;
	p2 =	slt.u32 s8, $0xFFFFF086  }
0x1c: {  	p1 =	slt.u32 s9, $0xF7A;
	s5 =	simm.s32 @!p2 $0x0  }
0x1d: {  	s5 =	simm.s32 @p1 $0x1;
	p0 =	seq.s32 s7, s2  }
0x1e: {  	s7 =	smul.u32 @!p0 $0xF7A, s2;
	p2 =	seq.s32 @!p0 s5, $0x0  }
0x1f: {  	s9 =	smul.u32 $0xF7A, s1;
	s8 =	simm.s32 @!p0 $0x1BF5;
	p2 =	por !p2, p0  }
0x20: {  	[sflag:s8] =	ssyncset.s32 @!p0 $0xFFFFF086;
	s6 =	sadd.s32 @!p0 s3, s7;
	s7 =	simm.s32 @!p0 $0x108  }
0x21: {  	s3 =	sadd.s32 s3, s9;
	s6 =	sadd.s32 @!p0 $0x88, s6;
	s7 =	simm.s32 @p2 $0x1082  }
0x22: {  	[simem:s7], [sflag:s8] =	dma.local @!p0 [hbm:s6], $0xF7A  }
0x23: {  	s9 =	sor.u32 $0xD0000000, s2;
	s6 =	simm.s32 $0x108;
	_ =	swait.ge @!p0 [sflag:s8], $0x0  }
0x24: {  	s3 =	sadd.s32 $0x88, s3;
	s6 =	simm.s32 @!p1 $0x1082;
	[sflag:s4] =	ssyncset.s32 $0xFFFFF086  }
0x25: {  	[simem:s6], [sflag:s4] =	dma.local [hbm:s3], $0xF7A  }
0x26: {  	[smem:$0x3F9F] =	sst s1;
	(tag) =	ssettag s2;
	_ =	strace s9  }
0x27: {  	s1 =	sld [smem:$0x3FAF]  }
0x28: {  	s2 =	sld [smem:$0x3FB0]  }
0x29: {  	s4 =	sld [smem:$0x3FB2]  }
0x2a: {  	p0 =	seq.s32 s5, $0x0;
	s5 =	sld [smem:$0x3FB3]  }
0x2b: {  	s6 =	sld [smem:$0x3FB4]  }
0x2c: {  	s7 =	sld [smem:$0x3FB5]  }
0x2d: {  	s3 =	simm.s32 $0x108;
	s8 =	sld [smem:$0x3FB6]  }
0x2e: {  	s3 =	simm.s32 @!p0 $0x1082;
	s9 =	sld [smem:$0x3FB7]  }
0x2f: {  	lr =	sadd.s32 s0, s3;
	s0 =	sld [smem:$0x3FAE]  }
0x30: {  	s3 =	sld [smem:$0x3FB1]  }
0x31: {  	[smem:$0x3FBA] =	sst s10  }
0x32: {  	s10 =	sld [smem:$0x3FB8];
	_ =	sdelay $0x3  }
0x33: {  	p0 =	seq.s32 s10, $0x1;
	s10 =	sld [smem:$0x3FBA];
	_ =	sdelay $0x3  }
0x34: {  	[smem:$0x3FBA] =	sst s10  }
0x35: {  	s10 =	sld [smem:$0x3FB9];
	_ =	sdelay $0x3  }
0x36: {  	p1 =	seq.s32 s10, $0x1;
	s10 =	sld [smem:$0x3FBA];
	_ =	sdelay $0x3  }
0x37: {  	[smem:$0x3FBA] =	sst s10  }
0x38: {  	s10 =	sld [smem:$0x3FBB]  }
0x39: {  	_ = 	snop;
	(pc) =	sbr.ind lr, $3  }
0x3a: {  	_ = 	snop  }
0x3b: {  	_ = 	snop  }
0x3c: {  	p2 =	seq.s32 s10, $0x1;
	s10 =	sld [smem:$0x3FBA]  }
0x3d: {  	_ =	shalt  }
0x3e: {  	_ =	shalt  }
0x3f: {  	_ =	shalt  }
0x40: {  	_ =	shalt  }
0x41: {  	_ =	shalt  }
0x42: {  	_ =	shalt  }
0x43: {  	_ =	shalt  }
0x44: {  	_ =	shalt  }
0x45: {  	_ =	shalt  }
0x46: {  	_ =	shalt  }
0x47: {  	_ =	shalt  }
0x48: {  	_ =	shalt  }
0x49: {  	_ =	shalt  }
0x4a: {  	_ =	shalt  }
0x4b: {  	_ =	shalt  }
0x4c: {  	_ =	shalt  }
0x4d: {  	_ =	shalt  }
0x4e: {  	_ =	shalt  }
0x4f: {  	_ =	shalt  }
0x50: {  	_ =	shalt  }
0x51: {  	_ =	shalt  }
0x52: {  	_ =	shalt  }
0x53: {  	_ =	shalt  }
0x54: {  	_ =	shalt  }
0x55: {  	_ =	shalt  }
0x56: {  	_ =	shalt  }
0x57: {  	_ =	shalt  }
0x58: {  	_ =	shalt  }
0x59: {  	_ =	shalt  }
0x5a: {  	_ =	shalt  }
0x5b: {  	_ =	shalt  }
0x5c: {  	_ =	shalt  }
0x5d: {  	_ =	shalt  }
0x5e: {  	_ =	shalt  }
0x5f: {  	_ =	shalt  }
0x60: {  	_ =	shalt  }
0x61: {  	_ =	shalt  }
0x62: {  	_ =	shalt  }
0x63: {  	_ =	shalt  }
0x64: {  	_ =	shalt  }
0x65: {  	_ =	shalt  }
0x66: {  	_ =	shalt  }
0x67: {  	_ =	shalt  }
0x68: {  	_ =	shalt  }
0x69: {  	_ =	shalt  }
0x6a: {  	_ =	shalt  }
0x6b: {  	_ =	shalt  }
0x6c: {  	_ =	shalt  }
0x6d: {  	_ =	shalt  }
0x6e: {  	_ =	shalt  }
0x6f: {  	_ =	shalt  }
0x70: {  	_ =	shalt  }
0x71: {  	_ =	shalt  }
0x72: {  	_ =	shalt  }
0x73: {  	_ =	shalt  }
0x74: {  	_ =	shalt  }
0x75: {  	_ =	shalt  }
0x76: {  	_ =	shalt  }
0x77: {  	_ =	shalt  }
0x78: {  	_ =	shalt  }
0x79: {  	_ =	shalt  }
0x7a: {  	_ =	shalt  }
0x7b: {  	_ =	shalt  }
0x7c: {  	_ =	shalt  }
0x7d: {  	_ =	shalt  }
0x7e: {  	_ =	shalt  }
0x7f: {  	_ =	shalt  }
0x80: {  	_ =	shalt  }
0x81: {  	_ =	shalt  }
0x82: {  	_ =	shalt  }
0x83: {  	_ =	shalt  }
0x84: {  	_ =	shalt  }
0x85: {  	_ =	shalt  }
0x86: {  	_ =	shalt  }
0x87: {  	_ =	shalt  }
.Lfunc_end0:
.L_simem_size_0:
called_computation.1_lowered:
.L_overlay_start_0:
0x88: {  	s2 =	sld [smem:$0x3FD9]  }
0x89: {  	s3 =	sld [smem:$0x3FFE];
	_ =	sdelay $0x1  }
0x8a: {  	s1 =	srdreg.scid  }
0x8b: {  	s0 =	sand.u32 $0x1, s1  }
0x8c: {  	s17 =	sshll.u32 s0, $0xA;
	s2 =	sadd.s32 s3, s2  }
0x8d: {  	s2 =	sadd.s32 s2, s17  }
0x8e: {  	[smem:$0x3FC6] =	sst s2  }
0x8f: {  	_ = 	snop  }
0x90: {  	s2 =	sld [smem:$0x3FD0];
	(tm) =	ssettm $0x1  }
0x91: {  	s18 =	sld [smem:$0x3FFB];
	_ =	sdelay $0x3  }
0x92: {  	_ =	strace s18  }
0x93: {  	s3 =	sld [smem:$0x3FFC];
	_ =	sdelay $0x3  }
0x94: {  	_ =	strace s3  }
0x95: {  	s3 =	sld [smem:$0x3FFD];
	_ =	sdelay $0x3  }
0x96: {  	_ =	strace s3  }
0x97: {  	_ =	strace $0x8FFFFFFF  }
0x98: {  	s19 =	sld [smem:$0x3FDB];
	_ =	sdelay $0x1  }
0x99: {  	s4 =	simm.s32 $_scs_section_size  }
0x9a: {  	s5 =	simm.s32 $_size__tile_overlayer_lowered;
	s6 =	simm.s32 $_tile_overlayer_lowered  }
0x9b: {  	s22 =	simm.s32 $0x1BFF;
	s21 =	sshll.u32 s6, $0x1;
	s3 =	sadd.s32 s4, s19  }
0x9c: {  	s7 =	simm.s32 $0x0;
	s20 =	sshll.u32 s5, $0x1;
	s5 =	sadd.s32 s21, s3  }
0x9d: {  	[timem:s7], [sflag:s22] =	dma.local [hbm:s5], s20  }
0x9e: {  	_ =	swait.ge [sflag:s22], s20  }
0x9f: {  	s4 =	ssub.s32 $0x0, s20;
	[sflag:s22] =	ssyncset.done $0x0  }
0xa0: {  	[sflag:s22] =	ssyncadd.s32 s4;
	_ =	sdelay $0x1  }
0xa1: {  	s23 =	simm.s32 $0x1B8B  }
0xa2: {  	_ =	swait.ge [sflag:s23], $0x1  }
0xa3: {  	[sflag:s23] =	ssyncset.done $0x0  }
0xa4: {  	s25 =	simm.s32 $0x1B8E;
	s24 =	sld [smem:$0x3FFE];
	[sflag:s23] =	ssyncadd.s32 $0xFFFFFFFF  }
0xa5: {  	s26 =	simm.s32 $execute0_lowered;
	[smem:$0x3FD2] =	sst s25  }
0xa6: {  	s5 =	sshll.u32 s26, $0x1;
	_ =	strace $0x80000046;
	[dreg:$0x1] =	wrdreg $0xFFFFFFFF  }
0xa7: {  	s28 =	simm.s32 $_size_execute0_lowered;
	s3 =	sadd.s32 s3, s5;
	[dreg:$0x0] =	wrdreg $0x0  }
0xa8: {  	s5 =	sshll.u32 s28, $0x1;
	[dreg:$0x2] =	wrdreg s3  }
0xa9: {  	[dreg:$0x3] =	wrdreg s5  }
0xaa: {  	[dreg:$0x4] =	wrdreg $0xC0  }
0xab: {  	_ =	task [dreg:s7], $0x5FFFF  }
0xac: {  	[dreg:$0x1] =	wrdreg $0xFFFFFFFF  }
0xad: {  	[dreg:$0x0] =	wrdreg $0x60  }
0xae: {  	[dreg:$0x2] =	wrdreg s24  }
0xaf: {  	[dreg:$0x3] =	wrdreg s2  }
0xb0: {  	[dreg:$0x4] =	wrdreg $0x9  }
0xb1: {  	_ =	task.clear_ibuf [dreg:s7], $0x5FFFF;
	_ =	strace $0x90000046  }
0xb2: {  	s29 =	simm.s32 $0x9;
	_ =	strace $0x80000048  }
0xb3: {  	_ =	swait.ge [sflag:s29], $0x1  }
0xb4: {  	[sflag:s29] =	ssyncadd.s32 $0xFFFFFFFF  }
0xb5: {  	_ =	strace $0x90000048  }
0xb6: {  	_ =	sfence  }
0xb7: {  	s30 =	sld [smem:$0x0];
	_ =	sdelay $0x2  }
0xb8: {  	s31 =	sshll.u32 s1, $0xD;
	s1 =	sshrl.u32 s1, $0x2  }
0xb9: {  	s3 =	sand.u32 $0x4000, s31;
	s1 =	sadd.s32 s1, s30  }
0xba: {  	s0 =	sor.u32 s3, s0;
	s1 =	sshll.u32 s1, $0x11  }
0xbb: {  	s0 =	sor.u32 s1, s0  }
0xbc: {  	s0 =	sadd.s32 $0x8F2B, s0  }
0xbd: {  	[sflag:s0] =	ssyncadd.remote.s32 $0x1  }
0xbe: {  	_ =	sfence.sel $0xFFFF  }
0xbf: {  	[dreg:$0x0] =	wrdreg $0xFFFFFFFF;
	(pc) =	sbr.abs _section_cstart, $3  }
0xc0: {  	[dreg:$0x1] =	wrdreg $0xFFFFFFFF  }
0xc1: {  	_ =	task.clear_ibuf [dreg:s7], $0x2FFFF;
	_ =	strace $0x9FFFFFFF  }
0xc2: {  	(tm) =	ssettm $0x7FFFFFFF  }
0xc3: {  	_ =	shalt  }
tec
execute0_lowered:
.L_overlay_start_1:
0x0: {  	(tag) =	ssettag $0x1  }
0x1: {  	s0 =	srdreg.scid;
	s1 =	rddreg [dreg:$0x0]  }
0x2: {  	s7 =	stileid.u32;
	s8 =	rddreg [dreg:$0x1]  }
0x3: {  	s12 =	simm.s32 $0x5;
	s13 =	simm.s32 $0x80;
	s14 =	simm.s32 $0x6400  }
0x4: {  	s15 =	simm.s32 $0x8400;
	s17 =	simm.s32 $0xA400;
	s19 =	simm.s32 $0xC400  }
0x5: {  	s21 =	simm.s32 $0xE400;
	s28 =	simm.s32 $0x14400;
	s30 =	simm.s32 $0x16400  }
0x6: {  	s16 =	simm.s32 $0x2;
	s18 =	simm.s32 $0x3;
	s20 =	simm.s32 $0x4  }
0x7: {  	s0 =	sand.u32 $0x1, s0;
	s2 =	sshll.u32 s7, $0x1;
	s7 =	smul.u32 $0xC800, s7  }
0x8: {  	s4 =	sor.u32 s0, s2;
	s6 =	ssub.s32 $0x2, s0;
	s0 =	smul.u32 $0x6400, s0  }
0x9: {  	s22 =	simm.s32 $0x0;
	s2 =	simm.s32 $0x0;
	s3 =	smul.u32 $0xC80, s4  }
0xa: {  	[smem:$0x7FF] =	sst s2;
	s5 =	smul.u32 $0x190000, s4;
	s10 =	sshrl.u32 s6, $0x1  }
0xb: {  	s24 =	smul.u32 $0x32000, s4;
	_ =	strace $0x80000047;
	s23 =	ssub.s32 s6, s10  }
0xc: {  	s0 =	sadd.s32 s0, s7;
	s9 =	sadd.s32 s3, s1;
	s3 =	sadd.s32 $0xF42E00, s1  }
0xd: {  	s26 =	sshrl.u32 s5, $0x3;
	s5 =	sadd.s32 s8, s24;
	s0 =	sshll.u32 s0, $0x3  }
0xe: {  	s1 =	simm.s32 $0x18400;
	s25 =	sadd.s32 $0xA00, s9;
	s9 =	sadd.s32 s8, s26  }
0xf: {  	s29 =	sadd.s32 $0x1400, s5;
	s0 =	sadd.s32 s8, s0;
	[dreg:$0x3] =	wrdreg s25  }
0x10: {  	[dreg:$0x4] =	wrdreg s29;
	s7 =	sadd.s32 $0x2F800, s9;
	s8 =	sadd.s32 $0x30C00, s9  }
0x11: {  	s9 =	smax.u32 s23, $0x1;
	s10 =	sadd.s32 $0x2800, s0;
	s31 =	sadd.s32 $0x3C00, s0  }
0x12: {  	s23 =	simm.s32 $0x10400;
	s25 =	simm.s32 $0x12400;
	s0 =	simm.s32 $0x1  }
.LBB2_1:
0x13: {  	s4 =	rddreg [dreg:$0x3]  }
0x14: {  	[tilespmem:s2], [sflag:$0x5] =	stream.linear.gather [hbm4b:s4+s2], $0x6400, $0x38;
	[tilespmem:$0x1A400] =	vst v63  }
0x15: {  	_ =	swait.ge [sflag:s12], $0x6400  }
0x16: {  	[sflag:s12] =	ssyncset.done $0x0  }
0x17: {  	[sflag:s12] =	ssyncadd.s32 $0xFFFF9C00  }
0x18: {  	[tilespmem:s14], [sflag:$0x1] =	stream.indirect.gather [hbm4b:s3+s13], $0x40, s2, s13, $0xb8;
	[tilespmem:$0x1A400] =	vst v63  }
0x19: {  	_ = 	snop  }
0x1a: {  	[tilespmem:s15], [sflag:$0x1] =	stream.indirect.gather [hbm4b:s3+s13], $0x40, s13, s13, $0xb8;
	[tilespmem:$0x1A400] =	vst v63  }
0x1b: {  	s24 =	simm.s32 $0x100  }
0x1c: {  	[tilespmem:s17], [sflag:$0x1] =	stream.indirect.gather [hbm4b:s3+s13], $0x40, s24, s13, $0xb8;
	[tilespmem:$0x1A400] =	vst v63  }
0x1d: {  	s26 =	simm.s32 $0x180  }
0x1e: {  	[tilespmem:s19], [sflag:$0x1] =	stream.indirect.gather [hbm4b:s3+s13], $0x40, s26, s13, $0xb8;
	[tilespmem:$0x1A400] =	vst v63  }
0x1f: {  	s6 =	simm.s32 $0x200  }
0x20: {  	[tilespmem:s21], [sflag:$0x1] =	stream.indirect.gather [hbm4b:s3+s13], $0x40, s6, s13, $0xb8;
	[tilespmem:$0x1A400] =	vst v63  }
0x21: {  	s11 =	simm.s32 $0x280  }
0x22: {  	[tilespmem:s23], [sflag:$0x2] =	stream.indirect.gather [hbm4b:s3+s13], $0x40, s11, s13, $0xb8;
	[tilespmem:$0x1A400] =	vst v63  }
0x23: {  	s24 =	simm.s32 $0x300  }
0x24: {  	[tilespmem:s25], [sflag:$0x2] =	stream.indirect.gather [hbm4b:s3+s13], $0x40, s24, s13, $0xb8;
	[tilespmem:$0x1A400] =	vst v63  }
0x25: {  	s26 =	simm.s32 $0x380  }
0x26: {  	[tilespmem:s28], [sflag:$0x2] =	stream.indirect.gather [hbm4b:s3+s13], $0x40, s26, s13, $0xb8;
	[tilespmem:$0x1A400] =	vst v63  }
0x27: {  	s6 =	simm.s32 $0x400  }
0x28: {  	[tilespmem:s30], [sflag:$0x2] =	stream.indirect.gather [hbm4b:s3+s13], $0x40, s6, s13, $0xb8;
	[tilespmem:$0x1A400] =	vst v63  }
0x29: {  	s11 =	simm.s32 $0x480  }
0x2a: {  	[tilespmem:s1], [sflag:$0x2] =	stream.indirect.gather [hbm4b:s3+s13], $0x40, s11, s13, $0xb8;
	[tilespmem:$0x1A400] =	vst v63  }
0x2b: {  	_ =	swait.ge [sflag:s0], $0x2000  }
0x2c: {  	[sflag:s0] =	ssyncset.done $0x0  }
0x2d: {  	[sflag:s0] =	ssyncadd.s32 $0xFFFFE000  }
0x2e: {  	_ =	swait.ge [sflag:s0], $0x2000  }
0x2f: {  	[sflag:s0] =	ssyncset.done $0x0  }
0x30: {  	[sflag:s0] =	ssyncadd.s32 $0xFFFFE000  }
0x31: {  	_ =	swait.ge [sflag:s0], $0x2000  }
0x32: {  	[sflag:s0] =	ssyncset.done $0x0  }
0x33: {  	[sflag:s0] =	ssyncadd.s32 $0xFFFFE000  }
0x34: {  	_ =	swait.ge [sflag:s0], $0x2000  }
0x35: {  	[sflag:s0] =	ssyncset.done $0x0  }
0x36: {  	[sflag:s0] =	ssyncadd.s32 $0xFFFFE000  }
0x37: {  	_ =	swait.ge [sflag:s0], $0x2000  }
0x38: {  	[sflag:s0] =	ssyncset.done $0x0  }
0x39: {  	[sflag:s0] =	ssyncadd.s32 $0xFFFFE000  }
0x3a: {  	[hbm4b:s5+s2] =	stream.linear.scatter [tilespmem:s14], [sflag:$0x3], $0xA000, $0x38;
	[tilespmem:$0x1A400] =	vst v63  }
0x3b: {  	_ =	swait.ge [sflag:s16], $0x2000  }
0x3c: {  	[sflag:s16] =	ssyncset.done $0x0  }
0x3d: {  	[sflag:s16] =	ssyncadd.s32 $0xFFFFE000  }
0x3e: {  	_ =	swait.ge [sflag:s16], $0x2000  }
0x3f: {  	[sflag:s16] =	ssyncset.done $0x0  }
0x40: {  	[sflag:s16] =	ssyncadd.s32 $0xFFFFE000  }
0x41: {  	_ =	swait.ge [sflag:s16], $0x2000  }
0x42: {  	[sflag:s16] =	ssyncset.done $0x0  }
0x43: {  	[sflag:s16] =	ssyncadd.s32 $0xFFFFE000  }
0x44: {  	_ =	swait.ge [sflag:s16], $0x2000  }
0x45: {  	[sflag:s16] =	ssyncset.done $0x0  }
0x46: {  	[sflag:s16] =	ssyncadd.s32 $0xFFFFE000  }
0x47: {  	_ =	swait.ge [sflag:s16], $0x2000  }
0x48: {  	[sflag:s16] =	ssyncset.done $0x0  }
0x49: {  	s24 =	rddreg [dreg:$0x4];
	[sflag:s16] =	ssyncadd.s32 $0xFFFFE000  }
0x4a: {  	[hbm4b:s24+s2] =	stream.linear.scatter [tilespmem:s23], [sflag:$0x4], $0xA000, $0x38;
	[tilespmem:$0x1A400] =	vst v63  }
0x4b: {  	_ =	swait.ge [sflag:s18], $0xA000  }
0x4c: {  	[sflag:s18] =	ssyncset.done $0x0  }
0x4d: {  	s11 =	simm.s32 $0x500;
	[sflag:s18] =	ssyncadd.s32 $0xFFFF6000  }
0x4e: {  	[tilespmem:s14], [sflag:$0x1] =	stream.indirect.gather [hbm4b:s3+s13], $0x40, s11, s13, $0xb8;
	[tilespmem:$0x1A400] =	vst v63  }
0x4f: {  	s26 =	simm.s32 $0x580  }
0x50: {  	[tilespmem:s15], [sflag:$0x1] =	stream.indirect.gather [hbm4b:s3+s13], $0x40, s26, s13, $0xb8;
	[tilespmem:$0x1A400] =	vst v63  }
0x51: {  	s4 =	simm.s32 $0x600  }
0x52: {  	[tilespmem:s17], [sflag:$0x1] =	stream.indirect.gather [hbm4b:s3+s13], $0x40, s4, s13, $0xb8;
	[tilespmem:$0x1A400] =	vst v63  }
0x53: {  	s6 =	simm.s32 $0x680  }
0x54: {  	[tilespmem:s19], [sflag:$0x1] =	stream.indirect.gather [hbm4b:s3+s13], $0x40, s6, s13, $0xb8;
	[tilespmem:$0x1A400] =	vst v63  }
0x55: {  	s24 =	simm.s32 $0x700  }
0x56: {  	[tilespmem:s21], [sflag:$0x1] =	stream.indirect.gather [hbm4b:s3+s13], $0x40, s24, s13, $0xb8;
	[tilespmem:$0x1A400] =	vst v63  }
0x57: {  	_ =	swait.ge [sflag:s20], $0xA000  }
0x58: {  	[sflag:s20] =	ssyncset.done $0x0  }
0x59: {  	s26 =	simm.s32 $0x780;
	[sflag:s20] =	ssyncadd.s32 $0xFFFF6000  }
0x5a: {  	[tilespmem:s23], [sflag:$0x2] =	stream.indirect.gather [hbm4b:s3+s13], $0x40, s26, s13, $0xb8;
	[tilespmem:$0x1A400] =	vst v63  }
0x5b: {  	s4 =	simm.s32 $0x800  }
0x5c: {  	[tilespmem:s25], [sflag:$0x2] =	stream.indirect.gather [hbm4b:s3+s13], $0x40, s4, s13, $0xb8;
	[tilespmem:$0x1A400] =	vst v63  }
0x5d: {  	s6 =	simm.s32 $0x880  }
0x5e: {  	[tilespmem:s28], [sflag:$0x2] =	stream.indirect.gather [hbm4b:s3+s13], $0x40, s6, s13, $0xb8;
	[tilespmem:$0x1A400] =	vst v63  }
0x5f: {  	s24 =	simm.s32 $0x900  }
0x60: {  	[tilespmem:s30], [sflag:$0x2] =	stream.indirect.gather [hbm4b:s3+s13], $0x40, s24, s13, $0xb8;
	[tilespmem:$0x1A400] =	vst v63  }
0x61: {  	s26 =	simm.s32 $0x980  }
0x62: {  	[tilespmem:s1], [sflag:$0x2] =	stream.indirect.gather [hbm4b:s3+s13], $0x40, s26, s13, $0xb8;
	[tilespmem:$0x1A400] =	vst v63  }
0x63: {  	_ =	swait.ge [sflag:s0], $0x2000  }
0x64: {  	[sflag:s0] =	ssyncset.done $0x0  }
0x65: {  	[sflag:s0] =	ssyncadd.s32 $0xFFFFE000  }
0x66: {  	_ =	swait.ge [sflag:s0], $0x2000  }
0x67: {  	[sflag:s0] =	ssyncset.done $0x0  }
0x68: {  	[sflag:s0] =	ssyncadd.s32 $0xFFFFE000  }
0x69: {  	_ =	swait.ge [sflag:s0], $0x2000  }
0x6a: {  	[sflag:s0] =	ssyncset.done $0x0  }
0x6b: {  	[sflag:s0] =	ssyncadd.s32 $0xFFFFE000  }
0x6c: {  	_ =	swait.ge [sflag:s0], $0x2000  }
0x6d: {  	[sflag:s0] =	ssyncset.done $0x0  }
0x6e: {  	[sflag:s0] =	ssyncadd.s32 $0xFFFFE000  }
0x6f: {  	_ =	swait.ge [sflag:s0], $0x2000  }
0x70: {  	[sflag:s0] =	ssyncset.done $0x0  }
0x71: {  	[sflag:s0] =	ssyncadd.s32 $0xFFFFE000  }
0x72: {  	[hbm4b:s10+s2] =	stream.linear.scatter [tilespmem:s14], [sflag:$0x3], $0xA000, $0x38;
	[tilespmem:$0x1A400] =	vst v63  }
0x73: {  	_ =	swait.ge [sflag:s16], $0x2000  }
0x74: {  	[sflag:s16] =	ssyncset.done $0x0  }
0x75: {  	[sflag:s16] =	ssyncadd.s32 $0xFFFFE000  }
0x76: {  	_ =	swait.ge [sflag:s16], $0x2000  }
0x77: {  	[sflag:s16] =	ssyncset.done $0x0  }
0x78: {  	[sflag:s16] =	ssyncadd.s32 $0xFFFFE000  }
0x79: {  	_ =	swait.ge [sflag:s16], $0x2000  }
0x7a: {  	[sflag:s16] =	ssyncset.done $0x0  }
0x7b: {  	[sflag:s16] =	ssyncadd.s32 $0xFFFFE000  }
0x7c: {  	_ =	swait.ge [sflag:s16], $0x2000  }
0x7d: {  	[sflag:s16] =	ssyncset.done $0x0  }
0x7e: {  	[sflag:s16] =	ssyncadd.s32 $0xFFFFE000  }
0x7f: {  	_ =	swait.ge [sflag:s16], $0x2000  }
0x80: {  	s29 =	sadd.s32 $0x2800, s31;
	s11 =	smov.u32 s31;
	[sflag:s16] =	ssyncset.done $0x0  }
0x81: {  	s24 =	simm.s32 $0x1400;
	s26 =	sadd.s32 $0x2800, s10;
	[sflag:s16] =	ssyncadd.s32 $0xFFFFE000  }
.LBB2_2:
0x82: {  	[hbm4b:s11+s2] =	stream.linear.scatter [tilespmem:s23], [sflag:$0x4], $0xA000, $0x38;
	[tilespmem:$0x1A400] =	vst v63  }
0x83: {  	s4 =	smov.u32 s24;
	s11 =	smov.u32 s29  }
0x84: {  	p0 =	sne.s32 s24, $0x15400;
	s24 =	sadd.s32 $0x1400, s24;
	_ =	swait.ge [sflag:s18], $0xA000  }
0x85: {  	s4 =	sshra.s32 s4, $0x2;
	[sflag:s18] =	ssyncset.done $0x0  }
0x86: {  	s6 =	sadd.s32 $0x500, s4;
	[sflag:s18] =	ssyncadd.s32 $0xFFFF6000  }
0x87: {  	[tilespmem:s14], [sflag:$0x1] =	stream.indirect.gather [hbm4b:s3+s13], $0x40, s6, s13, $0xb8;
	[tilespmem:$0x1A400] =	vst v63  }
0x88: {  	s6 =	sadd.s32 $0x580, s4  }
0x89: {  	[tilespmem:s15], [sflag:$0x1] =	stream.indirect.gather [hbm4b:s3+s13], $0x40, s6, s13, $0xb8;
	[tilespmem:$0x1A400] =	vst v63  }
0x8a: {  	s6 =	sadd.s32 $0x600, s4  }
0x8b: {  	[tilespmem:s17], [sflag:$0x1] =	stream.indirect.gather [hbm4b:s3+s13], $0x40, s6, s13, $0xb8;
	[tilespmem:$0x1A400] =	vst v63  }
0x8c: {  	s6 =	sadd.s32 $0x680, s4  }
0x8d: {  	[tilespmem:s19], [sflag:$0x1] =	stream.indirect.gather [hbm4b:s3+s13], $0x40, s6, s13, $0xb8;
	[tilespmem:$0x1A400] =	vst v63  }
0x8e: {  	s6 =	sadd.s32 $0x700, s4  }
0x8f: {  	[tilespmem:s21], [sflag:$0x1] =	stream.indirect.gather [hbm4b:s3+s13], $0x40, s6, s13, $0xb8;
	[tilespmem:$0x1A400] =	vst v63  }
0x90: {  	_ =	swait.ge [sflag:s20], $0xA000  }
0x91: {  	[sflag:s20] =	ssyncset.done $0x0  }
0x92: {  	s6 =	sadd.s32 $0x780, s4;
	[sflag:s20] =	ssyncadd.s32 $0xFFFF6000  }
0x93: {  	[tilespmem:s23], [sflag:$0x2] =	stream.indirect.gather [hbm4b:s3+s13], $0x40, s6, s13, $0xb8;
	[tilespmem:$0x1A400] =	vst v63  }
0x94: {  	s6 =	sadd.s32 $0x800, s4  }
0x95: {  	[tilespmem:s25], [sflag:$0x2] =	stream.indirect.gather [hbm4b:s3+s13], $0x40, s6, s13, $0xb8;
	[tilespmem:$0x1A400] =	vst v63  }
0x96: {  	s6 =	sadd.s32 $0x880, s4  }
0x97: {  	[tilespmem:s28], [sflag:$0x2] =	stream.indirect.gather [hbm4b:s3+s13], $0x40, s6, s13, $0xb8;
	[tilespmem:$0x1A400] =	vst v63  }
0x98: {  	s6 =	sadd.s32 $0x900, s4  }
0x99: {  	[tilespmem:s30], [sflag:$0x2] =	stream.indirect.gather [hbm4b:s3+s13], $0x40, s6, s13, $0xb8;
	[tilespmem:$0x1A400] =	vst v63  }
0x9a: {  	s4 =	sadd.s32 $0x980, s4  }
0x9b: {  	[tilespmem:s1], [sflag:$0x2] =	stream.indirect.gather [hbm4b:s3+s13], $0x40, s4, s13, $0xb8;
	[tilespmem:$0x1A400] =	vst v63  }
0x9c: {  	_ =	swait.ge [sflag:s0], $0x2000  }
0x9d: {  	[sflag:s0] =	ssyncset.done $0x0  }
0x9e: {  	[sflag:s0] =	ssyncadd.s32 $0xFFFFE000  }
0x9f: {  	_ =	swait.ge [sflag:s0], $0x2000  }
0xa0: {  	[sflag:s0] =	ssyncset.done $0x0  }
0xa1: {  	[sflag:s0] =	ssyncadd.s32 $0xFFFFE000  }
0xa2: {  	_ =	swait.ge [sflag:s0], $0x2000  }
0xa3: {  	[sflag:s0] =	ssyncset.done $0x0  }
0xa4: {  	[sflag:s0] =	ssyncadd.s32 $0xFFFFE000  }
0xa5: {  	_ =	swait.ge [sflag:s0], $0x2000  }
0xa6: {  	[sflag:s0] =	ssyncset.done $0x0  }
0xa7: {  	[sflag:s0] =	ssyncadd.s32 $0xFFFFE000  }
0xa8: {  	_ =	swait.ge [sflag:s0], $0x2000  }
0xa9: {  	[sflag:s0] =	ssyncset.done $0x0  }
0xaa: {  	[sflag:s0] =	ssyncadd.s32 $0xFFFFE000  }
0xab: {  	[hbm4b:s26+s2] =	stream.linear.scatter [tilespmem:s14], [sflag:$0x3], $0xA000, $0x38;
	[tilespmem:$0x1A400] =	vst v63  }
0xac: {  	_ =	swait.ge [sflag:s16], $0x2000  }
0xad: {  	[sflag:s16] =	ssyncset.done $0x0  }
0xae: {  	[sflag:s16] =	ssyncadd.s32 $0xFFFFE000  }
0xaf: {  	_ =	swait.ge [sflag:s16], $0x2000  }
0xb0: {  	[sflag:s16] =	ssyncset.done $0x0  }
0xb1: {  	[sflag:s16] =	ssyncadd.s32 $0xFFFFE000  }
0xb2: {  	_ =	swait.ge [sflag:s16], $0x2000  }
0xb3: {  	[sflag:s16] =	ssyncset.done $0x0  }
0xb4: {  	[sflag:s16] =	ssyncadd.s32 $0xFFFFE000  }
0xb5: {  	_ =	swait.ge [sflag:s16], $0x2000  }
.Ltmp0:
0xb6: {  	[sflag:s16] =	ssyncset.done $0x0;
	(pc) =	sbr.rel @p0 .LBB2_2-.Ltmp0, $4  }
0xb7: {  	[sflag:s16] =	ssyncadd.s32 $0xFFFFE000  }
0xb8: {  	_ =	swait.ge [sflag:s16], $0x2000  }
0xb9: {  	[sflag:s16] =	ssyncset.done $0x0  }
0xba: {  	s29 =	sadd.s32 $0x2800, s29;
	s26 =	sadd.s32 $0x2800, s26;
	[sflag:s16] =	ssyncadd.s32 $0xFFFFE000  }
0xbb: {  	[hbm4b:s11+s2] =	stream.linear.scatter [tilespmem:s23], [sflag:$0x4], $0xA000, $0x38;
	[tilespmem:$0x1A400] =	vst v63  }
0xbc: {  	_ =	swait.ge [sflag:s18], $0xA000  }
0xbd: {  	[sflag:s18] =	ssyncset.done $0x0  }
0xbe: {  	s4 =	simm.s32 $0x5F00;
	[sflag:s18] =	ssyncadd.s32 $0xFFFF6000  }
0xbf: {  	[tilespmem:s14], [sflag:$0x1] =	stream.indirect.gather [hbm4b:s3+s13], $0x40, s4, s13, $0xb8;
	[tilespmem:$0x1A400] =	vst v63  }
0xc0: {  	s11 =	simm.s32 $0x5F80  }
0xc1: {  	[tilespmem:s15], [sflag:$0x1] =	stream.indirect.gather [hbm4b:s3+s13], $0x40, s11, s13, $0xb8;
	[tilespmem:$0x1A400] =	vst v63  }
0xc2: {  	s24 =	simm.s32 $0x6000  }
0xc3: {  	[tilespmem:s17], [sflag:$0x1] =	stream.indirect.gather [hbm4b:s3+s13], $0x40, s24, s13, $0xb8;
	[tilespmem:$0x1A400] =	vst v63  }
0xc4: {  	s26 =	simm.s32 $0x6080  }
0xc5: {  	[tilespmem:s19], [sflag:$0x1] =	stream.indirect.gather [hbm4b:s3+s13], $0x40, s26, s13, $0xb8;
	[tilespmem:$0x1A400] =	vst v63  }
0xc6: {  	s29 =	simm.s32 $0x6100  }
0xc7: {  	[tilespmem:s21], [sflag:$0x1] =	stream.indirect.gather [hbm4b:s3+s13], $0x40, s29, s13, $0xb8;
	[tilespmem:$0x1A400] =	vst v63  }
0xc8: {  	_ =	swait.ge [sflag:s20], $0xA000  }
0xc9: {  	[sflag:s20] =	ssyncset.done $0x0  }
0xca: {  	s6 =	simm.s32 $0x6180;
	[sflag:s20] =	ssyncadd.s32 $0xFFFF6000  }
0xcb: {  	[tilespmem:s23], [sflag:$0x2] =	stream.indirect.gather [hbm4b:s3+s13], $0x40, s6, s13, $0xb8;
	[tilespmem:$0x1A400] =	vst v63  }
0xcc: {  	s11 =	simm.s32 $0x6200  }
0xcd: {  	[tilespmem:s25], [sflag:$0x2] =	stream.indirect.gather [hbm4b:s3+s13], $0x40, s11, s13, $0xb8;
	[tilespmem:$0x1A400] =	vst v63  }
0xce: {  	s24 =	simm.s32 $0x6280  }
0xcf: {  	[tilespmem:s28], [sflag:$0x2] =	stream.indirect.gather [hbm4b:s3+s13], $0x40, s24, s13, $0xb8;
	[tilespmem:$0x1A400] =	vst v63  }
0xd0: {  	s26 =	simm.s32 $0x6300  }
0xd1: {  	[tilespmem:s30], [sflag:$0x2] =	stream.indirect.gather [hbm4b:s3+s13], $0x40, s26, s13, $0xb8;
	[tilespmem:$0x1A400] =	vst v63  }
0xd2: {  	s29 =	simm.s32 $0x6380  }
0xd3: {  	[tilespmem:s1], [sflag:$0x2] =	stream.indirect.gather [hbm4b:s3+s13], $0x40, s29, s13, $0xb8;
	[tilespmem:$0x1A400] =	vst v63  }
0xd4: {  	_ =	swait.ge [sflag:s0], $0x2000  }
0xd5: {  	[sflag:s0] =	ssyncset.done $0x0  }
0xd6: {  	[sflag:s0] =	ssyncadd.s32 $0xFFFFE000  }
0xd7: {  	_ =	swait.ge [sflag:s0], $0x2000  }
0xd8: {  	[sflag:s0] =	ssyncset.done $0x0  }
0xd9: {  	[sflag:s0] =	ssyncadd.s32 $0xFFFFE000  }
0xda: {  	_ =	swait.ge [sflag:s0], $0x2000  }
0xdb: {  	[sflag:s0] =	ssyncset.done $0x0  }
0xdc: {  	[sflag:s0] =	ssyncadd.s32 $0xFFFFE000  }
0xdd: {  	_ =	swait.ge [sflag:s0], $0x2000  }
0xde: {  	[sflag:s0] =	ssyncset.done $0x0  }
0xdf: {  	[sflag:s0] =	ssyncadd.s32 $0xFFFFE000  }
0xe0: {  	_ =	swait.ge [sflag:s0], $0x2000  }
0xe1: {  	[sflag:s0] =	ssyncset.done $0x0  }
0xe2: {  	[sflag:s0] =	ssyncadd.s32 $0xFFFFE000  }
0xe3: {  	[hbm4b:s7+s2] =	stream.linear.scatter [tilespmem:s14], [sflag:$0x3], $0xA000, $0x38;
	[tilespmem:$0x1A400] =	vst v63  }
0xe4: {  	_ =	swait.ge [sflag:s16], $0x2000  }
0xe5: {  	[sflag:s16] =	ssyncset.done $0x0  }
0xe6: {  	[sflag:s16] =	ssyncadd.s32 $0xFFFFE000  }
0xe7: {  	_ =	swait.ge [sflag:s16], $0x2000  }
0xe8: {  	[sflag:s16] =	ssyncset.done $0x0  }
0xe9: {  	[sflag:s16] =	ssyncadd.s32 $0xFFFFE000  }
0xea: {  	_ =	swait.ge [sflag:s16], $0x2000  }
0xeb: {  	[sflag:s16] =	ssyncset.done $0x0  }
0xec: {  	[sflag:s16] =	ssyncadd.s32 $0xFFFFE000  }
0xed: {  	_ =	swait.ge [sflag:s16], $0x2000  }
0xee: {  	[sflag:s16] =	ssyncset.done $0x0  }
0xef: {  	[sflag:s16] =	ssyncadd.s32 $0xFFFFE000  }
0xf0: {  	_ =	swait.ge [sflag:s16], $0x2000  }
0xf1: {  	[sflag:s16] =	ssyncset.done $0x0  }
0xf2: {  	s22 =	sadd.s32 $0x1, s22;
	[sflag:s16] =	ssyncadd.s32 $0xFFFFE000  }
0xf3: {  	[hbm4b:s8+s2] =	stream.linear.scatter [tilespmem:s23], [sflag:$0x4], $0xA000, $0x38;
	[tilespmem:$0x1A400] =	vst v63  }
0xf4: {  	p0 =	sne.s32 s22, s9;
	_ =	swait.ge [sflag:s18], $0xA000  }
.Ltmp1:
0xf5: {  	[sflag:s18] =	ssyncset.done $0x0;
	(pc) =	sbr.rel @p0 .LBB2_1-.Ltmp1, $4  }
0xf6: {  	[sflag:s18] =	ssyncadd.s32 $0xFFFF6000  }
0xf7: {  	_ =	swait.ge [sflag:s20], $0xA000  }
0xf8: {  	[sflag:s20] =	ssyncset.done $0x0  }
0xf9: {  	[sflag:s20] =	ssyncadd.s32 $0xFFFF6000  }
0xfa: {  	_ =	sfence.sel $0x180000  }
0xfb: {  	[bflag:$0x0] =	sbarrier.arrive $0xFFFF  }
0xfc: {  	_ =	strace $0x90000047  }
0xfd: {  	s0 =	stileid.u32;
	[bflag:$0x2] =	sbarrier.arrive $0xFFFF  }
0xfe: {  	p0 =	sne.s32 s0, $0x0;
	s0 =	rddreg [dreg:$0x2]  }
0xff: {  	s0 =	sadd.s32 @!p0 $0x100000, s0  }
0x100: {  	[sflag:s0] =	ssyncadd.tile.s32 @!p0 $0x1;
	_ =	shalt  }
.Lfunc_end2:
_tile_overlayer_lowered:
.L_overlay_start_2:
0x101: {  	(tag) =	ssettag $0x2  }
0x102: {  	s0 =	rddreg [dreg:$0x0];
	s2 =	stileid.u32  }
0x103: {  	s1 =	rddreg [dreg:$0x1];
	p0 =	sne.s32 s2, $0x0  }
0x104: {  	s3 =	rddreg [dreg:$0x2];
	[bflag:$0x3] =	sbarrier.arrive $0xFFFF;
	s2 =	simm.s32 @!p0 $0x1C05  }
0x105: {  	[timem:s3], [sflag:s2] =	dma.local @!p0 [hbm:s0], s1  }
0x106: {  	s0 =	simm.s32 @!p0 $0x5  }
0x107: {  	_ =	swait.ge @!p0 [sflag:s0], s1  }
0x108: {  	s1 =	ssub.s32 @!p0 $0x0, s1;
	[sflag:s0] =	ssyncset.done @!p0 $0x0  }
0x109: {  	[sflag:s0] =	ssyncadd.s32 @!p0 s1  }
0x10a: {  	[bflag:$0x3] =	sbarrier.arrive $0xFFFF  }
0x10b: {  	_ =	shalt  }

// kernel: sparse-core-data-format-call.cloned.1.call-start
scs
called_computation_lowered:
.L_overlay_start_0:
0x0: {  	s2 =	sld [smem:$0x3FD9]  }
0x1: {  	s3 =	sld [smem:$0x3FFE];
	_ =	sdelay $0x1  }
0x2: {  	s1 =	srdreg.scid  }
0x3: {  	s0 =	sand.u32 $0x1, s1  }
0x4: {  	s18 =	sshll.u32 s0, $0xA;
	s2 =	sadd.s32 s3, s2  }
0x5: {  	s2 =	sadd.s32 s2, s18  }
0x6: {  	[smem:$0x3FC6] =	sst s2  }
0x7: {  	_ = 	snop  }
0x8: {  	s2 =	sld [smem:$0x3FD0];
	(tm) =	ssettm $0x1  }
0x9: {  	s19 =	sld [smem:$0x3FFB];
	_ =	sdelay $0x3  }
0xa: {  	_ =	strace s19  }
0xb: {  	s3 =	sld [smem:$0x3FFC];
	_ =	sdelay $0x3  }
0xc: {  	_ =	strace s3  }
0xd: {  	s3 =	sld [smem:$0x3FFD];
	_ =	sdelay $0x3  }
0xe: {  	_ =	strace s3  }
0xf: {  	_ =	strace $0x8FFFFFFF  }
0x10: {  	s20 =	sld [smem:$0x3FDB];
	_ =	sdelay $0x1  }
0x11: {  	s4 =	simm.s32 $_scs_section_size  }
0x12: {  	s5 =	simm.s32 $_size__tile_overlayer_lowered;
	s6 =	simm.s32 $_tile_overlayer_lowered  }
0x13: {  	s23 =	simm.s32 $0x1BFF;
	s22 =	sshll.u32 s6, $0x1;
	s3 =	sadd.s32 s4, s20  }
0x14: {  	s7 =	simm.s32 $0x0;
	s21 =	sshll.u32 s5, $0x1;
	s5 =	sadd.s32 s22, s3  }
0x15: {  	[timem:s7], [sflag:s23] =	dma.local [hbm:s5], s21  }
0x16: {  	_ =	swait.ge [sflag:s23], s21  }
0x17: {  	s4 =	ssub.s32 $0x0, s21;
	[sflag:s23] =	ssyncset.done $0x0  }
0x18: {  	[sflag:s23] =	ssyncadd.s32 s4;
	_ =	sdelay $0x1  }
0x19: {  	s24 =	simm.s32 $0x1B8B  }
0x1a: {  	_ =	swait.ge [sflag:s24], $0x1  }
0x1b: {  	[sflag:s24] =	ssyncset.done $0x0  }
0x1c: {  	s26 =	simm.s32 $0x1B8E;
	s25 =	sld [smem:$0x3FFE];
	[sflag:s24] =	ssyncadd.s32 $0xFFFFFFFF  }
0x1d: {  	s27 =	simm.s32 $execute0_lowered;
	[smem:$0x3FD2] =	sst s26  }
0x1e: {  	s5 =	sshll.u32 s27, $0x1;
	_ =	strace $0x80000049;
	[dreg:$0x1] =	wrdreg $0xFFFFFFFF  }
0x1f: {  	s28 =	simm.s32 $_size_execute0_lowered;
	s3 =	sadd.s32 s3, s5;
	[dreg:$0x0] =	wrdreg $0x0  }
0x20: {  	s5 =	sshll.u32 s28, $0x1;
	[dreg:$0x2] =	wrdreg s3  }
0x21: {  	[dreg:$0x3] =	wrdreg s5  }
0x22: {  	[dreg:$0x4] =	wrdreg $0xC0  }
0x23: {  	_ =	task [dreg:s7], $0x5FFFF  }
0x24: {  	[dreg:$0x1] =	wrdreg $0xFFFFFFFF  }
0x25: {  	[dreg:$0x0] =	wrdreg $0x60  }
0x26: {  	[dreg:$0x2] =	wrdreg s25  }
0x27: {  	[dreg:$0x3] =	wrdreg s2  }
0x28: {  	[dreg:$0x4] =	wrdreg $0x9  }
0x29: {  	_ =	task.clear_ibuf [dreg:s7], $0x5FFFF;
	_ =	strace $0x90000049  }
0x2a: {  	s29 =	simm.s32 $0x9;
	_ =	strace $0x8000004B  }
0x2b: {  	_ =	swait.ge [sflag:s29], $0x1  }
0x2c: {  	[sflag:s29] =	ssyncadd.s32 $0xFFFFFFFF  }
0x2d: {  	_ =	strace $0x9000004B  }
0x2e: {  	_ =	sfence  }
0x2f: {  	s30 =	sld [smem:$0x0];
	_ =	sdelay $0x2  }
0x30: {  	s31 =	sshll.u32 s1, $0xD;
	s1 =	sshrl.u32 s1, $0x2  }
0x31: {  	s3 =	sand.u32 $0x4000, s31;
	s1 =	sadd.s32 s1, s30  }
0x32: {  	s0 =	sor.u32 s3, s0;
	s1 =	sshll.u32 s1, $0x11  }
0x33: {  	s0 =	sor.u32 s1, s0  }
0x34: {  	s0 =	sadd.s32 $0x8F2B, s0  }
0x35: {  	[sflag:s0] =	ssyncadd.remote.s32 $0x1  }
0x36: {  	_ =	sfence.sel $0xFFFF  }
0x37: {  	[dreg:$0x0] =	wrdreg $0xFFFFFFFF;
	(pc) =	sbr.abs _section_cstart, $3  }
0x38: {  	[dreg:$0x1] =	wrdreg $0xFFFFFFFF  }
0x39: {  	_ =	task.clear_ibuf [dreg:s7], $0x2FFFF;
	_ =	strace $0x9FFFFFFF  }
0x3a: {  	(tm) =	ssettm $0x7FFFFFFF  }
0x3b: {  	_ =	shalt  }
tec
execute0_lowered:
.L_overlay_start_1:
0x0: {  	(tag) =	ssettag $0x1  }
0x1: {  	s0 =	srdreg.scid  }
0x2: {  	s1 =	sshll.u32 s0, $0x4  }
0x3: {  	s0 =	stileid.u32;
	s1 =	sand.u32 $0x10, s1  }
0x4: {  	s1 =	sor.u32 s0, s1  }
0x5: {  	s6 =	rddreg [dreg:$0x0];
	s4 =	simm.s32 $0x1;
	s2 =	sshll.u32 s1, $0x7  }
0x6: {  	s7 =	simm.s32 $0x2;
	s12 =	simm.s32 $0x0;
	s1 =	ssub.s32 $0x1000, s2  }
0x7: {  	s8 =	simm.s32 $0x8000;
	s13 =	simm.s32 $0x0;
	s3 =	sand.u32 $0xF80, s1  }
0x8: {  	s9 =	simm.s32 $0x0;
	s5 =	sshrl.u32 s1, $0xC;
	p0 =	sne.s32 s3, $0x0  }
.Ltmp0:
0x9: {  	s1 =	rddreg [dreg:$0x2];
	s4 =	simm.s32 @!p0 $0x0;
	(pc) =	sbr.rel .LBB1_1-.Ltmp0, $4  }
0xa: {  	s11 =	simm.s32 $0x0;
	s3 =	rddreg [dreg:$0x1];
	s5 =	sadd.s32 s4, s5  }
0xb: {  	_ =	strace $0x8000004A;
	s4 =	simm.s32 $0x1;
	s5 =	smul.u32 $0xC8, s5  }
0xc: {  	s6 =	sadd.s32 $0xA00, s6;
	s10 =	smov.u32 s2;
	[sflag:s4] =	ssyncpa.u1 $0x0  }
0xd: {  	p0 =	por $0x0, $0x0;
	[sflag:s7] =	ssyncpa.u1 $0x0;
	s7 =	sor.u32 $0x1, s5  }
.LBB1_4:
0xe: {  	s16 =	sshll.u32 s13, $0x3;
	s17 =	sand.u32 $0x78, s13  }
0xf: {  	s30 =	sand.u32 $0x7E00, s13;
	s12 =	sshll.u32 s12, $0xF;
	s16 =	sand.u32 $0xC00, s16  }
0x10: {  	[tilespmem:s15+$0x810 ss:$0x81] =	vst.msk $0xffff, v2;
	s31 =	sand.u32 $0x7, s13;
	s16 =	sor.u32 s17, s16;
	s17 =	sadd.s32 s3, s30  }
0x11: {  	[tilespmem:s15+$0x1020 ss:$0x81] =	vst.msk $0xffff, v0;
	s13 =	sshll.u32 s31, $0x12;
	s12 =	sadd.s32 s12, s17;
	s16 =	sshrl.u32 s16, $0x3  }
0x12: {  	[tilespmem:s15+$0x0 ss:$0x81] =	vst.msk $0xffff, v1;
	s13 =	sor.u32 $0x400, s13;
	s12 =	sadd.s32 s16, s12  }
0x13: {  	[hbm4b:s12+s13] =	stream.strided.scatter [tilespmem:s14], [sflag:$0x2], $0x2000, s8, s13, $0x20;
	[tilespmem:$0x8080] =	vst v63  }
.LBB1_5:
0x14: {  	s14 =	sadd.s32 $0x1, s9  }
0x15: {  	s12 =	sadd.s32 $0x1000, s10;
	s16 =	smov.u32 s10;
	p2 =	sgt.s32 s14, $0xC7  }
0x16: {  	s16 =	smov.u32 @p2 s12  }
0x17: {  	s14 =	simm.s32 @p2 $0x0;
	p2 =	sgt.s32 s16, $0xFFF  }
0x18: {  	s16 =	smov.u32 @p2 s2;
	p2 =	sne.s32 s11, s7  }
.Ltmp1:
0x19: {  	p1 =	slt.u32 s11, $0x2;
	(pc) =	sbr.rel @!p2 .LBB1_6-.Ltmp1, $4  }
0x1a: {  	s15 =	simm.s32 @!p1 $0x2  }
0x1b: {  	s13 =	smov.u32 s10;
	p0 =	por !p0, !p0;
	_ =	swait.ge @!p1 [sflag:s15], $0x2000  }
0x1c: {  	s12 =	smov.u32 s9;
	[sflag:s15] =	ssyncset.done @!p1 $0x0;
	s9 =	smov.u32 s14  }
0x1d: {  	s11 =	sadd.s32 $0x1, s11;
	[sflag:s15] =	ssyncadd.s32 @!p1 $0xFFFFE000;
	s10 =	smov.u32 s16  }
.LBB1_1:
0x1e: {  	p1 =	sge.u32 s11, s5  }
0x1f: {  	s14 =	sand.u32 @!p1 $0x1FFFFFF, s9  }
0x20: {  	s15 =	smulhi.u32 @!p1 $0x147AE15, s14;
	_ =	sdelay $0x1  }
0x21: {  	s15 =	smul.u32 @!p1 $0xC8, s15  }
0x22: {  	s16 =	sxor.u32 @!p1 $0xFFFFFFFF, s11;
	s17 =	smul.u32 @!p1 $0xC80, s10  }
0x23: {  	s31 =	sadd.s32 $0xFFFFFFFF, s11;
	s16 =	sshll.u32 @!p1 s16, $0xD;
	s14 =	ssub.s32 @!p1 s14, s15  }
0x24: {  	s15 =	sand.u32 @!p1 $0x2000, s16;
	s16 =	sadd.s32 @!p1 s6, s17;
	s14 =	sshll.u32 @!p1 s14, $0x4  }
0x25: {  	s17 =	simm.s32 @!p1 $0x6400;
	s14 =	sadd.s32 @!p1 s14, s16;
	s16 =	simm.s32 @!p1 $0x40  }
0x26: {  	[tilespmem:s15], [sflag:$0x1] =	stream.strided.gather @!p1 [hbm4b:s14+s16], $0x2000, s17, s16, $0x38;
	[tilespmem:$0x8080] =	vst v63  }
0x27: {  	p1 =	sge.u32 s31, s5  }
.Ltmp2:
0x28: {  	_ = 	snop;
	(pc) =	sbr.rel @p1 .LBB1_5-.Ltmp2, $1  }
0x29: {  	_ =	sdelay $0x3  }
0x2a: {  	s14 =	simm.s32 $0x1  }
0x2b: {  	_ =	swait.ge [sflag:s4], $0x2000;
	s14 =	simm.s32 @!p0 $0x0  }
0x2c: {  	[sflag:s4] =	ssyncset.done $0x0;
	s15 =	sshll.u32 s14, $0xD  }
0x2d: {  	[sflag:s4] =	ssyncadd.s32 $0xFFFFE000;
	s18 =	sor.u32 $0x20, s15  }
0x2e: {  	s14 =	smul.u32 $0x8100, s14;
	v3 =	vld [tilespmem:s18+$0x10]  }
0x2f: {  	s30 =	sand.u32 $0x1, s11;
	v2 =	vld [tilespmem:s18+$0xFFFFFFF0]  }
0x30: {  	s15 =	smul.u32 $0x8100, s30;
	s14 =	sshrl.u32 s14, $0x2;
	v0 =	vld [tilespmem:s18+$0x0]  }
0x31: {  	v1 =	vld [tilespmem:s18+$0xFFFFFFE0];
	s16 =	sor.u32 $0x4000, s14  }
0x32: {  	s31 =	sshrl.u32 s15, $0x2;
	s15 =	sadd.s32 $0x0, s16  }
0x33: {  	s17 =	simm.s32 $0x4;
	s18 =	sadd.s32 $0x40, s18;
	s14 =	sor.u32 $0x4000, s31;
	[tilespmem:s15+$0x1830 ss:$0x81] =	vst.msk $0xffff, v3  }
.LBB1_3:
0x34: {  	v3 =	vld [tilespmem:s18+$0x10];
	p1 =	sne.s32 s17, $0x1FC;
	[tilespmem:s15+$0x810 ss:$0x81] =	vst.msk $0xffff, v2;
	s19 =	smov.u32 s17;
	s17 =	sadd.s32 $0x4, s17  }
.Ltmp3:
0x35: {  	v2 =	vld [tilespmem:s18+$0xFFFFFFF0];
	[tilespmem:s15+$0x1020 ss:$0x81] =	vst.msk $0xffff, v0;
	(pc) =	sbr.rel @p1 .LBB1_3-.Ltmp3, $4  }
0x36: {  	v0 =	vld [tilespmem:s18+$0x0];
	[tilespmem:s15+$0x0 ss:$0x81] =	vst.msk $0xffff, v1  }
0x37: {  	s15 =	sshra.s32 s19, $0x2;
	v1 =	vld [tilespmem:s18+$0xFFFFFFE0]  }
0x38: {  	s15 =	sadd.s32 s15, s16  }
0x39: {  	s18 =	sadd.s32 $0x40, s18;
	[tilespmem:s15+$0x1830 ss:$0x81] =	vst.msk $0xffff, v3  }
.Ltmp4:
0x3a: {  	_ = 	snop;
	(pc) =	sbr.rel .LBB1_4-.Ltmp4, $1  }
0x3b: {  	_ =	sdelay $0x3  }
.LBB1_6:
0x3c: {  	_ =	sfence.sel $0x180000  }
0x3d: {  	s2 =	simm.s32 $0x1;
	[bflag:$0x0] =	sbarrier.arrive $0xFFFF  }
0x3e: {  	s31 =	simm.s32 $0x2;
	[sflag:s2] =	ssyncpa.u1 $0x1  }
0x3f: {  	[sflag:s31] =	ssyncpa.u1 $0x1  }
0x40: {  	p0 =	sne.s32 s0, $0x0;
	_ =	strace $0x9000004A  }
0x41: {  	s0 =	sadd.s32 @!p0 $0x100000, s1;
	[bflag:$0x2] =	sbarrier.arrive $0xFFFF  }
0x42: {  	[sflag:s0] =	ssyncadd.tile.s32 @!p0 $0x1;
	_ =	shalt  }
.Lfunc_end1:
_tile_overlayer_lowered:
.L_overlay_start_2:
0x43: {  	(tag) =	ssettag $0x2  }
0x44: {  	s0 =	rddreg [dreg:$0x0];
	s2 =	stileid.u32  }
0x45: {  	s1 =	rddreg [dreg:$0x1];
	p0 =	sne.s32 s2, $0x0  }
0x46: {  	s3 =	rddreg [dreg:$0x2];
	[bflag:$0x3] =	sbarrier.arrive $0xFFFF;
	s2 =	simm.s32 @!p0 $0x1C01  }
0x47: {  	[timem:s3], [sflag:s2] =	dma.local @!p0 [hbm:s0], s1  }
0x48: {  	s0 =	simm.s32 @!p0 $0x1  }
0x49: {  	_ =	swait.ge @!p0 [sflag:s0], s1  }
0x4a: {  	s1 =	ssub.s32 @!p0 $0x0, s1;
	[sflag:s0] =	ssyncset.done @!p0 $0x0  }
0x4b: {  	[sflag:s0] =	ssyncadd.s32 @!p0 s1  }
0x4c: {  	[bflag:$0x3] =	sbarrier.arrive $0xFFFF  }
0x4d: {  	_ =	shalt  }

</sc_bundles>
